<compile_context>
chip_gen: v7x
topology: tpu7x:2x2x1
jax: 0.10.2.dev20260603
libtpu: 0.0.44.dev20260713+nightly
codegen_flags: <defaults>
</compile_context>

<pallas_src>
import jax
import jax.numpy as jnp
from jax import lax
from jax.experimental import pallas as pl
from jax.experimental.pallas import tpu as pltpu
from jax.experimental.pallas import tpu_sc as plsc

B = 16384
D = 128
NC = 2
NS = 16
NW = NC * NS
BPW = B // NW
CHUNK = 128
TAIL = 64
NFULL = 3
NVIRT = 5
NSLOT = 3


def _body(u_hbm, i_hbm, emb_u_hbm, emb_i_hbm, out_hbm,
          uidx, iidx, ubuf, ibuf, out_v, semu, semi):
    cid = lax.axis_index("c")
    sid = lax.axis_index("s")
    wid = sid * NC + cid
    base = wid * BPW

    cu0 = pltpu.async_copy(u_hbm.at[pl.ds(base, BPW)], uidx, semu.at[0])
    ci0 = pltpu.async_copy(i_hbm.at[pl.ds(base, BPW)], iidx, semi.at[0])
    cu0.wait()
    ci0.wait()

    def off_of(j):
        return j * CHUNK - jnp.maximum(j - NFULL, 0) * TAIL

    def start(j, slot):
        off = off_of(j)

        @pl.when(j < NFULL)
        def _():
            pltpu.async_copy(emb_u_hbm.at[uidx.at[pl.ds(off, CHUNK)]],
                             ubuf.at[slot].at[pl.ds(0, CHUNK)], semu.at[slot])
            pltpu.async_copy(emb_i_hbm.at[iidx.at[pl.ds(off, CHUNK)]],
                             ibuf.at[slot].at[pl.ds(0, CHUNK)], semi.at[slot])

        @pl.when(j >= NFULL)
        def _():
            pltpu.async_copy(emb_u_hbm.at[uidx.at[pl.ds(off, TAIL)]],
                             ubuf.at[slot].at[pl.ds(0, TAIL)], semu.at[slot])
            pltpu.async_copy(emb_i_hbm.at[iidx.at[pl.ds(off, TAIL)]],
                             ibuf.at[slot].at[pl.ds(0, TAIL)], semi.at[slot])

    def wait(j, slot):
        @pl.when(j < NFULL)
        def _():
            pltpu.make_async_copy(
                emb_u_hbm.at[uidx.at[pl.ds(0, CHUNK)]],
                ubuf.at[slot].at[pl.ds(0, CHUNK)], semu.at[slot]).wait()
            pltpu.make_async_copy(
                emb_i_hbm.at[iidx.at[pl.ds(0, CHUNK)]],
                ibuf.at[slot].at[pl.ds(0, CHUNK)], semi.at[slot]).wait()

        @pl.when(j >= NFULL)
        def _():
            pltpu.make_async_copy(
                emb_u_hbm.at[uidx.at[pl.ds(0, TAIL)]],
                ubuf.at[slot].at[pl.ds(0, TAIL)], semu.at[slot]).wait()
            pltpu.make_async_copy(
                emb_i_hbm.at[iidx.at[pl.ds(0, TAIL)]],
                ibuf.at[slot].at[pl.ds(0, TAIL)], semi.at[slot]).wait()

    start(0, 0)
    start(1, 1)

    def chunk(j, carry):
        slot = lax.rem(j, NSLOT)
        wait(j, slot)

        @pl.when(j + 2 < NVIRT)
        def _():
            start(j + 2, lax.rem(j + 2, NSLOT))

        n = jnp.where(j < NFULL, CHUNK, TAIL)
        out_off = off_of(j)

        def row(r, carry2):
            acc = jnp.zeros((16,), jnp.float32)
            for d8 in range(D // 16):
                uv = ubuf[slot, r, pl.ds(d8 * 16, 16)]
                iv = ibuf[slot, r, pl.ds(d8 * 16, 16)]
                acc = acc + uv * iv
            tot = plsc.cumsum(acc)
            lane = lax.iota(jnp.int32, 16)
            pos = jnp.full((16,), out_off + r, jnp.int32)
            plsc.store_scatter(out_v, [pos], tot, mask=lane == 15)
            return carry2

        lax.fori_loop(0, n, row, 0)
        return carry

    lax.fori_loop(0, NVIRT, chunk, 0)
    pltpu.sync_copy(out_v, out_hbm.at[pl.ds(base, BPW)])


_sc_call = pl.kernel(
    _body,
    out_type=jax.ShapeDtypeStruct((B,), jnp.float32),
    mesh=plsc.VectorSubcoreMesh(
        core_axis_name="c", subcore_axis_name="s",
        num_cores=NC, num_subcores=NS),
    scratch_types=[
        pltpu.VMEM((BPW,), jnp.int32),
        pltpu.VMEM((BPW,), jnp.int32),
        pltpu.VMEM((NSLOT, CHUNK, D), jnp.float32),
        pltpu.VMEM((NSLOT, CHUNK, D), jnp.float32),
        pltpu.VMEM((BPW,), jnp.float32),
        pltpu.SemaphoreType.DMA((NSLOT,)),
        pltpu.SemaphoreType.DMA((NSLOT,)),
    ],
    compiler_params=pltpu.CompilerParams(needs_layout_passes=False,
                                         skip_device_barrier=True),
)


@jax.jit
def kernel(u, i, emb_u, emb_i):
    return _sc_call(u.astype(jnp.int32), i.astype(jnp.int32), emb_u, emb_i)

# --- scband reference (transcript-rebuilt; emitter-appended) ---
"""Pipeline reference for scband-mfbaseline-15831249453269 (READ-ONLY COPY).

The authoritative reference and input builder live on the scoring server;
editing this copy changes nothing except your own understanding.
"""

import jax, jax.numpy as jnp
import numpy as np

N_USERS = 100000
N_ITEMS = 100000
N_LATENT = 128
BATCH = 16384


def _orthogonal_init(key, shape, dtype=jnp.float32):
    # mimic nn.init.orthogonal_ for a (rows, cols) matrix
    rows, cols = shape
    n = max(rows, cols)
    a = jax.random.normal(key, (n, min(rows, cols)), dtype=jnp.float32)
    q, r = jnp.linalg.qr(a)
    d = jnp.sign(jnp.diagonal(r))
    q = q * d[None, :]
    if rows < cols:
        q = q.T
    return q[:rows, :cols].astype(dtype)


def setup_inputs(seed: int = 0) -> dict:
    key = jax.random.key(seed)
    k_u, k_i, k_eu, k_ei = jax.random.split(key, 4)
    u = jax.random.randint(k_u, (BATCH,), 0, N_USERS, dtype=jnp.int64 if jax.config.jax_enable_x64 else jnp.int32)
    i = jax.random.randint(k_i, (BATCH,), 0, N_ITEMS, dtype=jnp.int64 if jax.config.jax_enable_x64 else jnp.int32)
    # Orthogonal init is expensive at this size; use scaled normal as a faithful stand-in
    # for the learned embedding tables (same shapes/dtypes as nn.Embedding weights).
    emb_u = jax.random.normal(k_eu, (N_USERS, N_LATENT), dtype=jnp.float32) * (1.0 / np.sqrt(N_LATENT))
    emb_i = jax.random.normal(k_ei, (N_ITEMS, N_LATENT), dtype=jnp.float32) * (1.0 / np.sqrt(N_LATENT))
    return {"u": u, "i": i, "emb_u": emb_u, "emb_i": emb_i}


def reference(u, i, emb_u, emb_i):
    # forward: e_u = emb_u(u); e_i = emb_i(i); return (e_u * e_i).sum(1)
    e_u = jnp.take(emb_u, u, axis=0)
    e_i = jnp.take(emb_i, i, axis=0)
    return (e_u * e_i).sum(axis=1)

if __name__ == "__main__":
    import jax
    _d = setup_inputs()
    print(jax.jit(kernel)(*tuple(_d.values())))

</pallas_src>

<mosaic_0001>
#map = affine_map<(d0, d1) -> (0)>
#map1 = affine_map<(d0, d1) -> (0, 0)>
module attributes {stable_mosaic.version = 14 : i64} {
  func.func @_body(%arg0: i32, %arg1: i32, %arg2: memref<16384xi32, #tpu.memory_space<hbm>>, %arg3: memref<16384xi32, #tpu.memory_space<hbm>>, %arg4: memref<100000x128xf32, #tpu.memory_space<hbm>>, %arg5: memref<100000x128xf32, #tpu.memory_space<hbm>>, %arg6: memref<16384xf32, #tpu.memory_space<hbm>>, %arg7: memref<512xi32, #tpu.memory_space<vmem>>, %arg8: memref<512xi32, #tpu.memory_space<vmem>>, %arg9: memref<3x128x128xf32, #tpu.memory_space<vmem>>, %arg10: memref<3x128x128xf32, #tpu.memory_space<vmem>>, %arg11: memref<512xf32, #tpu.memory_space<vmem>>, %arg12: memref<3x!tpu.dma_semaphore, #tpu.memory_space<semaphore_mem>>, %arg13: memref<3x!tpu.dma_semaphore, #tpu.memory_space<semaphore_mem>>) attributes {dimension_semantics = [#tpu.dimension_semantics<core_parallel>, #tpu.dimension_semantics<subcore_parallel>], iteration_bounds = array<i64: 2, 16>, scalar_prefetch = 0 : i64, scratch_operands = 7 : i64, tpu.core_type = #tpu.core_type<sc_vector_subcore>, window_params = [{transform_indices = #map}, {transform_indices = #map}, {transform_indices = #map1}, {transform_indices = #map1}, {transform_indices = #map}]} {
    %mul3A = arith.constant 2 : i32
    %mul3A_0 = arith.muli %arg1, %mul3A : i32
    %add3A = arith.addi %mul3A_0, %arg0 : i32
    %mul3A_1 = arith.constant 512 : i32
    %mul3A_2 = arith.muli %add3A, %mul3A_1 : i32
    %dma_start3A = arith.constant 0 : i32
    %dma_start3A_3 = tpu.memref_slice %arg2[%mul3A_2] : memref<16384xi32, #tpu.memory_space<hbm>> -> memref<512xi32, #tpu.memory_space<hbm>>
    %dma_start3A_4 = tpu.memref_slice %arg12[%dma_start3A] : memref<3x!tpu.dma_semaphore, #tpu.memory_space<semaphore_mem>> -> memref<1x!tpu.dma_semaphore, #tpu.memory_space<semaphore_mem>>
    %dma_start3A_5 = tpu.memref_squeeze %dma_start3A_4 : memref<1x!tpu.dma_semaphore, #tpu.memory_space<semaphore_mem>> -> memref<!tpu.dma_semaphore, #tpu.memory_space<semaphore_mem>>
    %dma_start3A_6 = tpu.memref_slice %arg2[%mul3A_2] : memref<16384xi32, #tpu.memory_space<hbm>> -> memref<512xi32, #tpu.memory_space<hbm>>
    tpu.enqueue_dma source(%dma_start3A_6 : memref<512xi32, #tpu.memory_space<hbm>>) target(%arg7 : memref<512xi32, #tpu.memory_space<vmem>>) target_semaphore(%dma_start3A_5 : memref<!tpu.dma_semaphore, #tpu.memory_space<semaphore_mem>>)
    %dma_start3A_7 = arith.constant 0 : i32
    %dma_start3A_8 = tpu.memref_slice %arg3[%mul3A_2] : memref<16384xi32, #tpu.memory_space<hbm>> -> memref<512xi32, #tpu.memory_space<hbm>>
    %dma_start3A_9 = tpu.memref_slice %arg13[%dma_start3A_7] : memref<3x!tpu.dma_semaphore, #tpu.memory_space<semaphore_mem>> -> memref<1x!tpu.dma_semaphore, #tpu.memory_space<semaphore_mem>>
    %dma_start3A_10 = tpu.memref_squeeze %dma_start3A_9 : memref<1x!tpu.dma_semaphore, #tpu.memory_space<semaphore_mem>> -> memref<!tpu.dma_semaphore, #tpu.memory_space<semaphore_mem>>
    %dma_start3A_11 = tpu.memref_slice %arg3[%mul3A_2] : memref<16384xi32, #tpu.memory_space<hbm>> -> memref<512xi32, #tpu.memory_space<hbm>>
    tpu.enqueue_dma source(%dma_start3A_11 : memref<512xi32, #tpu.memory_space<hbm>>) target(%arg8 : memref<512xi32, #tpu.memory_space<vmem>>) target_semaphore(%dma_start3A_10 : memref<!tpu.dma_semaphore, #tpu.memory_space<semaphore_mem>>)
    %dma_wait3A = arith.constant 0 : i32
    %dma_wait3A_12 = tpu.memref_slice %arg2[%mul3A_2] : memref<16384xi32, #tpu.memory_space<hbm>> -> memref<512xi32, #tpu.memory_space<hbm>>
    %dma_wait3A_13 = tpu.memref_slice %arg12[%dma_wait3A] : memref<3x!tpu.dma_semaphore, #tpu.memory_space<semaphore_mem>> -> memref<1x!tpu.dma_semaphore, #tpu.memory_space<semaphore_mem>>
    %dma_wait3A_14 = tpu.memref_squeeze %dma_wait3A_13 : memref<1x!tpu.dma_semaphore, #tpu.memory_space<semaphore_mem>> -> memref<!tpu.dma_semaphore, #tpu.memory_space<semaphore_mem>>
    %dma_wait3A_15 = tpu.memref_slice %arg2[%mul3A_2] : memref<16384xi32, #tpu.memory_space<hbm>> -> memref<512xi32, #tpu.memory_space<hbm>>
    tpu.wait_dma2 semaphore(%dma_wait3A_14 : memref<!tpu.dma_semaphore, #tpu.memory_space<semaphore_mem>>) src(%dma_wait3A_15 : memref<512xi32, #tpu.memory_space<hbm>>) dst(%arg7 : memref<512xi32, #tpu.memory_space<vmem>>)
    %dma_wait3A_16 = arith.constant 0 : i32
    %dma_wait3A_17 = tpu.memref_slice %arg3[%mul3A_2] : memref<16384xi32, #tpu.memory_space<hbm>> -> memref<512xi32, #tpu.memory_space<hbm>>
    %dma_wait3A_18 = tpu.memref_slice %arg13[%dma_wait3A_16] : memref<3x!tpu.dma_semaphore, #tpu.memory_space<semaphore_mem>> -> memref<1x!tpu.dma_semaphore, #tpu.memory_space<semaphore_mem>>
    %dma_wait3A_19 = tpu.memref_squeeze %dma_wait3A_18 : memref<1x!tpu.dma_semaphore, #tpu.memory_space<semaphore_mem>> -> memref<!tpu.dma_semaphore, #tpu.memory_space<semaphore_mem>>
    %dma_wait3A_20 = tpu.memref_slice %arg3[%mul3A_2] : memref<16384xi32, #tpu.memory_space<hbm>> -> memref<512xi32, #tpu.memory_space<hbm>>
    tpu.wait_dma2 semaphore(%dma_wait3A_19 : memref<!tpu.dma_semaphore, #tpu.memory_space<semaphore_mem>>) src(%dma_wait3A_20 : memref<512xi32, #tpu.memory_space<hbm>>) dst(%arg8 : memref<512xi32, #tpu.memory_space<vmem>>)
    %max3A = arith.constant -3 : i32
    %max3A_21 = arith.constant 0 : i32
    %max3A_22 = arith.maxsi %max3A, %max3A_21 : i32
    %mul3A_23 = arith.constant 64 : i32
    %mul3A_24 = arith.muli %max3A_22, %mul3A_23 : i32
    %sub3A = arith.constant 0 : i32
    %sub3A_25 = arith.subi %sub3A, %mul3A_24 : i32
    %dma_start3A_26 = arith.constant 0 : i32
    %dma_start3A_27 = arith.constant 0 : i32
    %dma_start3A_28 = arith.constant 0 : i32
    %dma_start3A_29 = arith.constant 0 : i32
    %dma_start3A_30 = tpu.memref_slice %arg9[%dma_start3A_26, %dma_start3A_28, %dma_start3A_29] : memref<3x128x128xf32, #tpu.memory_space<vmem>> -> memref<1x128x128xf32, #tpu.memory_space<vmem>>
    %dma_start3A_31 = tpu.memref_squeeze %dma_start3A_30 : memref<1x128x128xf32, #tpu.memory_space<vmem>> -> memref<128x128xf32, #tpu.memory_space<vmem>>
    %dma_start3A_32 = arith.constant 0 : i32
    %dma_start3A_33 = arith.constant 0 : i32
    %dma_start3A_34 = tpu.memref_slice %dma_start3A_31[%dma_start3A_32, %dma_start3A_33] : memref<128x128xf32, #tpu.memory_space<vmem>> -> memref<128x128xf32, #tpu.memory_space<vmem>>
    %dma_start3A_35 = tpu.memref_slice %arg7[%sub3A_25] : memref<512xi32, #tpu.memory_space<vmem>> -> memref<128xi32, #tpu.memory_space<vmem>>
    %dma_start3A_36 = arith.constant 0 : i32
    %dma_start3A_37 = arith.constant 0 : i32
    %dma_start3A_38 = tpu.memref_slice %arg4[%dma_start3A_36, %dma_start3A_37] : memref<100000x128xf32, #tpu.memory_space<hbm>> -> memref<100000x128xf32, #tpu.memory_space<hbm>>
    %dma_start3A_39 = tpu.memref_slice %arg12[%dma_start3A_27] : memref<3x!tpu.dma_semaphore, #tpu.memory_space<semaphore_mem>> -> memref<1x!tpu.dma_semaphore, #tpu.memory_space<semaphore_mem>>
    %dma_start3A_40 = tpu.memref_squeeze %dma_start3A_39 : memref<1x!tpu.dma_semaphore, #tpu.memory_space<semaphore_mem>> -> memref<!tpu.dma_semaphore, #tpu.memory_space<semaphore_mem>>
    tpu.enqueue_indirect_dma source(%dma_start3A_38 : memref<100000x128xf32, #tpu.memory_space<hbm>>) target(%dma_start3A_34 : memref<128x128xf32, #tpu.memory_space<vmem>>) offsets(%dma_start3A_35 : memref<128xi32, #tpu.memory_space<vmem>>) semaphore(%dma_start3A_40 : memref<!tpu.dma_semaphore, #tpu.memory_space<semaphore_mem>>)
    %dma_start3A_41 = arith.constant 0 : i32
    %dma_start3A_42 = arith.constant 0 : i32
    %dma_start3A_43 = arith.constant 0 : i32
    %dma_start3A_44 = arith.constant 0 : i32
    %dma_start3A_45 = tpu.memref_slice %arg10[%dma_start3A_41, %dma_start3A_43, %dma_start3A_44] : memref<3x128x128xf32, #tpu.memory_space<vmem>> -> memref<1x128x128xf32, #tpu.memory_space<vmem>>
    %dma_start3A_46 = tpu.memref_squeeze %dma_start3A_45 : memref<1x128x128xf32, #tpu.memory_space<vmem>> -> memref<128x128xf32, #tpu.memory_space<vmem>>
    %dma_start3A_47 = arith.constant 0 : i32
    %dma_start3A_48 = arith.constant 0 : i32
    %dma_start3A_49 = tpu.memref_slice %dma_start3A_46[%dma_start3A_47, %dma_start3A_48] : memref<128x128xf32, #tpu.memory_space<vmem>> -> memref<128x128xf32, #tpu.memory_space<vmem>>
    %dma_start3A_50 = tpu.memref_slice %arg8[%sub3A_25] : memref<512xi32, #tpu.memory_space<vmem>> -> memref<128xi32, #tpu.memory_space<vmem>>
    %dma_start3A_51 = arith.constant 0 : i32
    %dma_start3A_52 = arith.constant 0 : i32
    %dma_start3A_53 = tpu.memref_slice %arg5[%dma_start3A_51, %dma_start3A_52] : memref<100000x128xf32, #tpu.memory_space<hbm>> -> memref<100000x128xf32, #tpu.memory_space<hbm>>
    %dma_start3A_54 = tpu.memref_slice %arg13[%dma_start3A_42] : memref<3x!tpu.dma_semaphore, #tpu.memory_space<semaphore_mem>> -> memref<1x!tpu.dma_semaphore, #tpu.memory_space<semaphore_mem>>
    %dma_start3A_55 = tpu.memref_squeeze %dma_start3A_54 : memref<1x!tpu.dma_semaphore, #tpu.memory_space<semaphore_mem>> -> memref<!tpu.dma_semaphore, #tpu.memory_space<semaphore_mem>>
    tpu.enqueue_indirect_dma source(%dma_start3A_53 : memref<100000x128xf32, #tpu.memory_space<hbm>>) target(%dma_start3A_49 : memref<128x128xf32, #tpu.memory_space<vmem>>) offsets(%dma_start3A_50 : memref<128xi32, #tpu.memory_space<vmem>>) semaphore(%dma_start3A_55 : memref<!tpu.dma_semaphore, #tpu.memory_space<semaphore_mem>>)
    %max3A_56 = arith.constant -2 : i32
    %max3A_57 = arith.constant 0 : i32
    %max3A_58 = arith.maxsi %max3A_56, %max3A_57 : i32
    %mul3A_59 = arith.constant 64 : i32
    %mul3A_60 = arith.muli %max3A_58, %mul3A_59 : i32
    %sub3A_61 = arith.constant 128 : i32
    %sub3A_62 = arith.subi %sub3A_61, %mul3A_60 : i32
    %dma_start3A_63 = arith.constant 1 : i32
    %dma_start3A_64 = arith.constant 1 : i32
    %dma_start3A_65 = arith.constant 0 : i32
    %dma_start3A_66 = arith.constant 0 : i32
    %dma_start3A_67 = tpu.memref_slice %arg9[%dma_start3A_63, %dma_start3A_65, %dma_start3A_66] : memref<3x128x128xf32, #tpu.memory_space<vmem>> -> memref<1x128x128xf32, #tpu.memory_space<vmem>>
    %dma_start3A_68 = tpu.memref_squeeze %dma_start3A_67 : memref<1x128x128xf32, #tpu.memory_space<vmem>> -> memref<128x128xf32, #tpu.memory_space<vmem>>
    %dma_start3A_69 = arith.constant 0 : i32
    %dma_start3A_70 = arith.constant 0 : i32
    %dma_start3A_71 = tpu.memref_slice %dma_start3A_68[%dma_start3A_69, %dma_start3A_70] : memref<128x128xf32, #tpu.memory_space<vmem>> -> memref<128x128xf32, #tpu.memory_space<vmem>>
    %dma_start3A_72 = tpu.memref_slice %arg7[%sub3A_62] : memref<512xi32, #tpu.memory_space<vmem>> -> memref<128xi32, #tpu.memory_space<vmem>>
    %dma_start3A_73 = arith.constant 0 : i32
    %dma_start3A_74 = arith.constant 0 : i32
    %dma_start3A_75 = tpu.memref_slice %arg4[%dma_start3A_73, %dma_start3A_74] : memref<100000x128xf32, #tpu.memory_space<hbm>> -> memref<100000x128xf32, #tpu.memory_space<hbm>>
    %dma_start3A_76 = tpu.memref_slice %arg12[%dma_start3A_64] : memref<3x!tpu.dma_semaphore, #tpu.memory_space<semaphore_mem>> -> memref<1x!tpu.dma_semaphore, #tpu.memory_space<semaphore_mem>>
    %dma_start3A_77 = tpu.memref_squeeze %dma_start3A_76 : memref<1x!tpu.dma_semaphore, #tpu.memory_space<semaphore_mem>> -> memref<!tpu.dma_semaphore, #tpu.memory_space<semaphore_mem>>
    tpu.enqueue_indirect_dma source(%dma_start3A_75 : memref<100000x128xf32, #tpu.memory_space<hbm>>) target(%dma_start3A_71 : memref<128x128xf32, #tpu.memory_space<vmem>>) offsets(%dma_start3A_72 : memref<128xi32, #tpu.memory_space<vmem>>) semaphore(%dma_start3A_77 : memref<!tpu.dma_semaphore, #tpu.memory_space<semaphore_mem>>)
    %dma_start3A_78 = arith.constant 1 : i32
    %dma_start3A_79 = arith.constant 1 : i32
    %dma_start3A_80 = arith.constant 0 : i32
    %dma_start3A_81 = arith.constant 0 : i32
    %dma_start3A_82 = tpu.memref_slice %arg10[%dma_start3A_78, %dma_start3A_80, %dma_start3A_81] : memref<3x128x128xf32, #tpu.memory_space<vmem>> -> memref<1x128x128xf32, #tpu.memory_space<vmem>>
    %dma_start3A_83 = tpu.memref_squeeze %dma_start3A_82 : memref<1x128x128xf32, #tpu.memory_space<vmem>> -> memref<128x128xf32, #tpu.memory_space<vmem>>
    %dma_start3A_84 = arith.constant 0 : i32
    %dma_start3A_85 = arith.constant 0 : i32
    %dma_start3A_86 = tpu.memref_slice %dma_start3A_83[%dma_start3A_84, %dma_start3A_85] : memref<128x128xf32, #tpu.memory_space<vmem>> -> memref<128x128xf32, #tpu.memory_space<vmem>>
    %dma_start3A_87 = tpu.memref_slice %arg8[%sub3A_62] : memref<512xi32, #tpu.memory_space<vmem>> -> memref<128xi32, #tpu.memory_space<vmem>>
    %dma_start3A_88 = arith.constant 0 : i32
    %dma_start3A_89 = arith.constant 0 : i32
    %dma_start3A_90 = tpu.memref_slice %arg5[%dma_start3A_88, %dma_start3A_89] : memref<100000x128xf32, #tpu.memory_space<hbm>> -> memref<100000x128xf32, #tpu.memory_space<hbm>>
    %dma_start3A_91 = tpu.memref_slice %arg13[%dma_start3A_79] : memref<3x!tpu.dma_semaphore, #tpu.memory_space<semaphore_mem>> -> memref<1x!tpu.dma_semaphore, #tpu.memory_space<semaphore_mem>>
    %dma_start3A_92 = tpu.memref_squeeze %dma_start3A_91 : memref<1x!tpu.dma_semaphore, #tpu.memory_space<semaphore_mem>> -> memref<!tpu.dma_semaphore, #tpu.memory_space<semaphore_mem>>
    tpu.enqueue_indirect_dma source(%dma_start3A_90 : memref<100000x128xf32, #tpu.memory_space<hbm>>) target(%dma_start3A_86 : memref<128x128xf32, #tpu.memory_space<vmem>>) offsets(%dma_start3A_87 : memref<128xi32, #tpu.memory_space<vmem>>) semaphore(%dma_start3A_92 : memref<!tpu.dma_semaphore, #tpu.memory_space<semaphore_mem>>)
    %scan3A = arith.constant 0 : i32
    %scan3A_93 = arith.constant 0 : i32
    %scan3A_94 = arith.constant 5 : i32
    %scan3A_95 = arith.addi %scan3A_93, %scan3A_94 : i32
    %scan3A_96 = arith.constant 1 : i32
    scf.for %scan3A_98 = %scan3A_93 to %scan3A_95 step %scan3A_96  : i32 {
      %rem3A = arith.constant 3 : i32
      %rem3A_99 = arith.remsi %scan3A_98, %rem3A : i32
      %lt3A = arith.constant 3 : i32
      %lt3A_100 = arith.cmpi slt, %scan3A_98, %lt3A : i32
      %convert_element_type3A = arith.extui %lt3A_100 : i1 to i32
      %cond3A = arith.constant 0 : i32
      %cond3A_101 = arith.cmpi ne, %convert_element_type3A, %cond3A : i32
      scf.if %cond3A_101 {
        %dma_wait3A_134 = arith.constant 0 : i32
        %dma_wait3A_135 = arith.constant 0 : i32
        %dma_wait3A_136 = tpu.memref_slice %arg9[%rem3A_99, %dma_wait3A_134, %dma_wait3A_135] : memref<3x128x128xf32, #tpu.memory_space<vmem>> -> memref<1x128x128xf32, #tpu.memory_space<vmem>>
        %dma_wait3A_137 = tpu.memref_squeeze %dma_wait3A_136 : memref<1x128x128xf32, #tpu.memory_space<vmem>> -> memref<128x128xf32, #tpu.memory_space<vmem>>
        %dma_wait3A_138 = arith.constant 0 : i32
        %dma_wait3A_139 = arith.constant 0 : i32
        %dma_wait3A_140 = tpu.memref_slice %dma_wait3A_137[%dma_wait3A_138, %dma_wait3A_139] : memref<128x128xf32, #tpu.memory_space<vmem>> -> memref<128x128xf32, #tpu.memory_space<vmem>>
        %dma_wait3A_141 = arith.constant 0 : i32
        %dma_wait3A_142 = tpu.memref_slice %arg7[%dma_wait3A_141] : memref<512xi32, #tpu.memory_space<vmem>> -> memref<128xi32, #tpu.memory_space<vmem>>
        %dma_wait3A_143 = arith.constant 0 : i32
        %dma_wait3A_144 = arith.constant 0 : i32
        %dma_wait3A_145 = tpu.memref_slice %arg4[%dma_wait3A_143, %dma_wait3A_144] : memref<100000x128xf32, #tpu.memory_space<hbm>> -> memref<100000x128xf32, #tpu.memory_space<hbm>>
        %dma_wait3A_146 = tpu.memref_slice %arg12[%rem3A_99] : memref<3x!tpu.dma_semaphore, #tpu.memory_space<semaphore_mem>> -> memref<1x!tpu.dma_semaphore, #tpu.memory_space<semaphore_mem>>
        %dma_wait3A_147 = tpu.memref_squeeze %dma_wait3A_146 : memref<1x!tpu.dma_semaphore, #tpu.memory_space<semaphore_mem>> -> memref<!tpu.dma_semaphore, #tpu.memory_space<semaphore_mem>>
        tpu.wait_indirect_dma semaphore(%dma_wait3A_147 : memref<!tpu.dma_semaphore, #tpu.memory_space<semaphore_mem>>) src(%dma_wait3A_145 : memref<100000x128xf32, #tpu.memory_space<hbm>>) dst(%dma_wait3A_140 : memref<128x128xf32, #tpu.memory_space<vmem>>)
        %dma_wait3A_148 = arith.constant 0 : i32
        %dma_wait3A_149 = arith.constant 0 : i32
        %dma_wait3A_150 = tpu.memref_slice %arg10[%rem3A_99, %dma_wait3A_148, %dma_wait3A_149] : memref<3x128x128xf32, #tpu.memory_space<vmem>> -> memref<1x128x128xf32, #tpu.memory_space<vmem>>
        %dma_wait3A_151 = tpu.memref_squeeze %dma_wait3A_150 : memref<1x128x128xf32, #tpu.memory_space<vmem>> -> memref<128x128xf32, #tpu.memory_space<vmem>>
        %dma_wait3A_152 = arith.constant 0 : i32
        %dma_wait3A_153 = arith.constant 0 : i32
        %dma_wait3A_154 = tpu.memref_slice %dma_wait3A_151[%dma_wait3A_152, %dma_wait3A_153] : memref<128x128xf32, #tpu.memory_space<vmem>> -> memref<128x128xf32, #tpu.memory_space<vmem>>
        %dma_wait3A_155 = arith.constant 0 : i32
        %dma_wait3A_156 = tpu.memref_slice %arg8[%dma_wait3A_155] : memref<512xi32, #tpu.memory_space<vmem>> -> memref<128xi32, #tpu.memory_space<vmem>>
        %dma_wait3A_157 = arith.constant 0 : i32
        %dma_wait3A_158 = arith.constant 0 : i32
        %dma_wait3A_159 = tpu.memref_slice %arg5[%dma_wait3A_157, %dma_wait3A_158] : memref<100000x128xf32, #tpu.memory_space<hbm>> -> memref<100000x128xf32, #tpu.memory_space<hbm>>
        %dma_wait3A_160 = tpu.memref_slice %arg13[%rem3A_99] : memref<3x!tpu.dma_semaphore, #tpu.memory_space<semaphore_mem>> -> memref<1x!tpu.dma_semaphore, #tpu.memory_space<semaphore_mem>>
        %dma_wait3A_161 = tpu.memref_squeeze %dma_wait3A_160 : memref<1x!tpu.dma_semaphore, #tpu.memory_space<semaphore_mem>> -> memref<!tpu.dma_semaphore, #tpu.memory_space<semaphore_mem>>
        tpu.wait_indirect_dma semaphore(%dma_wait3A_161 : memref<!tpu.dma_semaphore, #tpu.memory_space<semaphore_mem>>) src(%dma_wait3A_159 : memref<100000x128xf32, #tpu.memory_space<hbm>>) dst(%dma_wait3A_154 : memref<128x128xf32, #tpu.memory_space<vmem>>)
      } else {
      }
      %ge3A = arith.constant 3 : i32
      %ge3A_102 = arith.cmpi sge, %scan3A_98, %ge3A : i32
      %convert_element_type3A_103 = arith.extui %ge3A_102 : i1 to i32
      %cond3A_104 = arith.constant 0 : i32
      %cond3A_105 = arith.cmpi ne, %convert_element_type3A_103, %cond3A_104 : i32
      scf.if %cond3A_105 {
        %dma_wait3A_134 = arith.constant 0 : i32
        %dma_wait3A_135 = arith.constant 0 : i32
        %dma_wait3A_136 = tpu.memref_slice %arg9[%rem3A_99, %dma_wait3A_134, %dma_wait3A_135] : memref<3x128x128xf32, #tpu.memory_space<vmem>> -> memref<1x128x128xf32, #tpu.memory_space<vmem>>
        %dma_wait3A_137 = tpu.memref_squeeze %dma_wait3A_136 : memref<1x128x128xf32, #tpu.memory_space<vmem>> -> memref<128x128xf32, #tpu.memory_space<vmem>>
        %dma_wait3A_138 = arith.constant 0 : i32
        %dma_wait3A_139 = arith.constant 0 : i32
        %dma_wait3A_140 = tpu.memref_slice %dma_wait3A_137[%dma_wait3A_138, %dma_wait3A_139] : memref<128x128xf32, #tpu.memory_space<vmem>> -> memref<64x128xf32, #tpu.memory_space<vmem>>
        %dma_wait3A_141 = arith.constant 0 : i32
        %dma_wait3A_142 = tpu.memref_slice %arg7[%dma_wait3A_141] : memref<512xi32, #tpu.memory_space<vmem>> -> memref<64xi32, #tpu.memory_space<vmem>>
        %dma_wait3A_143 = arith.constant 0 : i32
        %dma_wait3A_144 = arith.constant 0 : i32
        %dma_wait3A_145 = tpu.memref_slice %arg4[%dma_wait3A_143, %dma_wait3A_144] : memref<100000x128xf32, #tpu.memory_space<hbm>> -> memref<100000x128xf32, #tpu.memory_space<hbm>>
        %dma_wait3A_146 = tpu.memref_slice %arg12[%rem3A_99] : memref<3x!tpu.dma_semaphore, #tpu.memory_space<semaphore_mem>> -> memref<1x!tpu.dma_semaphore, #tpu.memory_space<semaphore_mem>>
        %dma_wait3A_147 = tpu.memref_squeeze %dma_wait3A_146 : memref<1x!tpu.dma_semaphore, #tpu.memory_space<semaphore_mem>> -> memref<!tpu.dma_semaphore, #tpu.memory_space<semaphore_mem>>
        tpu.wait_indirect_dma semaphore(%dma_wait3A_147 : memref<!tpu.dma_semaphore, #tpu.memory_space<semaphore_mem>>) src(%dma_wait3A_145 : memref<100000x128xf32, #tpu.memory_space<hbm>>) dst(%dma_wait3A_140 : memref<64x128xf32, #tpu.memory_space<vmem>>)
        %dma_wait3A_148 = arith.constant 0 : i32
        %dma_wait3A_149 = arith.constant 0 : i32
        %dma_wait3A_150 = tpu.memref_slice %arg10[%rem3A_99, %dma_wait3A_148, %dma_wait3A_149] : memref<3x128x128xf32, #tpu.memory_space<vmem>> -> memref<1x128x128xf32, #tpu.memory_space<vmem>>
        %dma_wait3A_151 = tpu.memref_squeeze %dma_wait3A_150 : memref<1x128x128xf32, #tpu.memory_space<vmem>> -> memref<128x128xf32, #tpu.memory_space<vmem>>
        %dma_wait3A_152 = arith.constant 0 : i32
        %dma_wait3A_153 = arith.constant 0 : i32
        %dma_wait3A_154 = tpu.memref_slice %dma_wait3A_151[%dma_wait3A_152, %dma_wait3A_153] : memref<128x128xf32, #tpu.memory_space<vmem>> -> memref<64x128xf32, #tpu.memory_space<vmem>>
        %dma_wait3A_155 = arith.constant 0 : i32
        %dma_wait3A_156 = tpu.memref_slice %arg8[%dma_wait3A_155] : memref<512xi32, #tpu.memory_space<vmem>> -> memref<64xi32, #tpu.memory_space<vmem>>
        %dma_wait3A_157 = arith.constant 0 : i32
        %dma_wait3A_158 = arith.constant 0 : i32
        %dma_wait3A_159 = tpu.memref_slice %arg5[%dma_wait3A_157, %dma_wait3A_158] : memref<100000x128xf32, #tpu.memory_space<hbm>> -> memref<100000x128xf32, #tpu.memory_space<hbm>>
        %dma_wait3A_160 = tpu.memref_slice %arg13[%rem3A_99] : memref<3x!tpu.dma_semaphore, #tpu.memory_space<semaphore_mem>> -> memref<1x!tpu.dma_semaphore, #tpu.memory_space<semaphore_mem>>
        %dma_wait3A_161 = tpu.memref_squeeze %dma_wait3A_160 : memref<1x!tpu.dma_semaphore, #tpu.memory_space<semaphore_mem>> -> memref<!tpu.dma_semaphore, #tpu.memory_space<semaphore_mem>>
        tpu.wait_indirect_dma semaphore(%dma_wait3A_161 : memref<!tpu.dma_semaphore, #tpu.memory_space<semaphore_mem>>) src(%dma_wait3A_159 : memref<100000x128xf32, #tpu.memory_space<hbm>>) dst(%dma_wait3A_154 : memref<64x128xf32, #tpu.memory_space<vmem>>)
      } else {
      }
      %add3A_106 = arith.constant 2 : i32
      %add3A_107 = arith.addi %scan3A_98, %add3A_106 : i32
      %lt3A_108 = arith.constant 5 : i32
      %lt3A_109 = arith.cmpi slt, %add3A_107, %lt3A_108 : i32
      %convert_element_type3A_110 = arith.extui %lt3A_109 : i1 to i32
      %cond3A_111 = arith.constant 0 : i32
      %cond3A_112 = arith.cmpi ne, %convert_element_type3A_110, %cond3A_111 : i32
      scf.if %cond3A_112 {
        %add3A_134 = arith.constant 2 : i32
        %add3A_135 = arith.addi %scan3A_98, %add3A_134 : i32
        %add3A_136 = arith.constant 2 : i32
        %add3A_137 = arith.addi %scan3A_98, %add3A_136 : i32
        %rem3A_138 = arith.constant 3 : i32
        %rem3A_139 = arith.remsi %add3A_137, %rem3A_138 : i32
        %mul3A_140 = arith.constant 128 : i32
        %mul3A_141 = arith.muli %add3A_135, %mul3A_140 : i32
        %sub3A_142 = arith.constant 3 : i32
        %sub3A_143 = arith.subi %add3A_135, %sub3A_142 : i32
        %max3A_144 = arith.constant 0 : i32
        %max3A_145 = arith.maxsi %sub3A_143, %max3A_144 : i32
        %mul3A_146 = arith.constant 64 : i32
        %mul3A_147 = arith.muli %max3A_145, %mul3A_146 : i32
        %sub3A_148 = arith.subi %mul3A_141, %mul3A_147 : i32
        %lt3A_149 = arith.constant 3 : i32
        %lt3A_150 = arith.cmpi slt, %add3A_135, %lt3A_149 : i32
        %convert_element_type3A_151 = arith.extui %lt3A_150 : i1 to i32
        %cond3A_152 = arith.constant 0 : i32
        %cond3A_153 = arith.cmpi ne, %convert_element_type3A_151, %cond3A_152 : i32
        scf.if %cond3A_153 {
          %dma_start3A_159 = arith.constant 0 : i32
          %dma_start3A_160 = arith.constant 0 : i32
          %dma_start3A_161 = tpu.memref_slice %arg9[%rem3A_139, %dma_start3A_159, %dma_start3A_160] : memref<3x128x128xf32, #tpu.memory_space<vmem>> -> memref<1x128x128xf32, #tpu.memory_space<vmem>>
          %dma_start3A_162 = tpu.memref_squeeze %dma_start3A_161 : memref<1x128x128xf32, #tpu.memory_space<vmem>> -> memref<128x128xf32, #tpu.memory_space<vmem>>
          %dma_start3A_163 = arith.constant 0 : i32
          %dma_start3A_164 = arith.constant 0 : i32
          %dma_start3A_165 = tpu.memref_slice %dma_start3A_162[%dma_start3A_163, %dma_start3A_164] : memref<128x128xf32, #tpu.memory_space<vmem>> -> memref<128x128xf32, #tpu.memory_space<vmem>>
          %dma_start3A_166 = tpu.memref_slice %arg7[%sub3A_148] : memref<512xi32, #tpu.memory_space<vmem>> -> memref<128xi32, #tpu.memory_space<vmem>>
          %dma_start3A_167 = arith.constant 0 : i32
          %dma_start3A_168 = arith.constant 0 : i32
          %dma_start3A_169 = tpu.memref_slice %arg4[%dma_start3A_167, %dma_start3A_168] : memref<100000x128xf32, #tpu.memory_space<hbm>> -> memref<100000x128xf32, #tpu.memory_space<hbm>>
          %dma_start3A_170 = tpu.memref_slice %arg12[%rem3A_139] : memref<3x!tpu.dma_semaphore, #tpu.memory_space<semaphore_mem>> -> memref<1x!tpu.dma_semaphore, #tpu.memory_space<semaphore_mem>>
          %dma_start3A_171 = tpu.memref_squeeze %dma_start3A_170 : memref<1x!tpu.dma_semaphore, #tpu.memory_space<semaphore_mem>> -> memref<!tpu.dma_semaphore, #tpu.memory_space<semaphore_mem>>
          tpu.enqueue_indirect_dma source(%dma_start3A_169 : memref<100000x128xf32, #tpu.memory_space<hbm>>) target(%dma_start3A_165 : memref<128x128xf32, #tpu.memory_space<vmem>>) offsets(%dma_start3A_166 : memref<128xi32, #tpu.memory_space<vmem>>) semaphore(%dma_start3A_171 : memref<!tpu.dma_semaphore, #tpu.memory_space<semaphore_mem>>)
          %dma_start3A_172 = arith.constant 0 : i32
          %dma_start3A_173 = arith.constant 0 : i32
          %dma_start3A_174 = tpu.memref_slice %arg10[%rem3A_139, %dma_start3A_172, %dma_start3A_173] : memref<3x128x128xf32, #tpu.memory_space<vmem>> -> memref<1x128x128xf32, #tpu.memory_space<vmem>>
          %dma_start3A_175 = tpu.memref_squeeze %dma_start3A_174 : memref<1x128x128xf32, #tpu.memory_space<vmem>> -> memref<128x128xf32, #tpu.memory_space<vmem>>
          %dma_start3A_176 = arith.constant 0 : i32
          %dma_start3A_177 = arith.constant 0 : i32
          %dma_start3A_178 = tpu.memref_slice %dma_start3A_175[%dma_start3A_176, %dma_start3A_177] : memref<128x128xf32, #tpu.memory_space<vmem>> -> memref<128x128xf32, #tpu.memory_space<vmem>>
          %dma_start3A_179 = tpu.memref_slice %arg8[%sub3A_148] : memref<512xi32, #tpu.memory_space<vmem>> -> memref<128xi32, #tpu.memory_space<vmem>>
          %dma_start3A_180 = arith.constant 0 : i32
          %dma_start3A_181 = arith.constant 0 : i32
          %dma_start3A_182 = tpu.memref_slice %arg5[%dma_start3A_180, %dma_start3A_181] : memref<100000x128xf32, #tpu.memory_space<hbm>> -> memref<100000x128xf32, #tpu.memory_space<hbm>>
          %dma_start3A_183 = tpu.memref_slice %arg13[%rem3A_139] : memref<3x!tpu.dma_semaphore, #tpu.memory_space<semaphore_mem>> -> memref<1x!tpu.dma_semaphore, #tpu.memory_space<semaphore_mem>>
          %dma_start3A_184 = tpu.memref_squeeze %dma_start3A_183 : memref<1x!tpu.dma_semaphore, #tpu.memory_space<semaphore_mem>> -> memref<!tpu.dma_semaphore, #tpu.memory_space<semaphore_mem>>
          tpu.enqueue_indirect_dma source(%dma_start3A_182 : memref<100000x128xf32, #tpu.memory_space<hbm>>) target(%dma_start3A_178 : memref<128x128xf32, #tpu.memory_space<vmem>>) offsets(%dma_start3A_179 : memref<128xi32, #tpu.memory_space<vmem>>) semaphore(%dma_start3A_184 : memref<!tpu.dma_semaphore, #tpu.memory_space<semaphore_mem>>)
        } else {
        }
        %ge3A_154 = arith.constant 3 : i32
        %ge3A_155 = arith.cmpi sge, %add3A_135, %ge3A_154 : i32
        %convert_element_type3A_156 = arith.extui %ge3A_155 : i1 to i32
        %cond3A_157 = arith.constant 0 : i32
        %cond3A_158 = arith.cmpi ne, %convert_element_type3A_156, %cond3A_157 : i32
        scf.if %cond3A_158 {
          %dma_start3A_159 = arith.constant 0 : i32
          %dma_start3A_160 = arith.constant 0 : i32
          %dma_start3A_161 = tpu.memref_slice %arg9[%rem3A_139, %dma_start3A_159, %dma_start3A_160] : memref<3x128x128xf32, #tpu.memory_space<vmem>> -> memref<1x128x128xf32, #tpu.memory_space<vmem>>
          %dma_start3A_162 = tpu.memref_squeeze %dma_start3A_161 : memref<1x128x128xf32, #tpu.memory_space<vmem>> -> memref<128x128xf32, #tpu.memory_space<vmem>>
          %dma_start3A_163 = arith.constant 0 : i32
          %dma_start3A_164 = arith.constant 0 : i32
          %dma_start3A_165 = tpu.memref_slice %dma_start3A_162[%dma_start3A_163, %dma_start3A_164] : memref<128x128xf32, #tpu.memory_space<vmem>> -> memref<64x128xf32, #tpu.memory_space<vmem>>
          %dma_start3A_166 = tpu.memref_slice %arg7[%sub3A_148] : memref<512xi32, #tpu.memory_space<vmem>> -> memref<64xi32, #tpu.memory_space<vmem>>
          %dma_start3A_167 = arith.constant 0 : i32
          %dma_start3A_168 = arith.constant 0 : i32
          %dma_start3A_169 = tpu.memref_slice %arg4[%dma_start3A_167, %dma_start3A_168] : memref<100000x128xf32, #tpu.memory_space<hbm>> -> memref<100000x128xf32, #tpu.memory_space<hbm>>
          %dma_start3A_170 = tpu.memref_slice %arg12[%rem3A_139] : memref<3x!tpu.dma_semaphore, #tpu.memory_space<semaphore_mem>> -> memref<1x!tpu.dma_semaphore, #tpu.memory_space<semaphore_mem>>
          %dma_start3A_171 = tpu.memref_squeeze %dma_start3A_170 : memref<1x!tpu.dma_semaphore, #tpu.memory_space<semaphore_mem>> -> memref<!tpu.dma_semaphore, #tpu.memory_space<semaphore_mem>>
          tpu.enqueue_indirect_dma source(%dma_start3A_169 : memref<100000x128xf32, #tpu.memory_space<hbm>>) target(%dma_start3A_165 : memref<64x128xf32, #tpu.memory_space<vmem>>) offsets(%dma_start3A_166 : memref<64xi32, #tpu.memory_space<vmem>>) semaphore(%dma_start3A_171 : memref<!tpu.dma_semaphore, #tpu.memory_space<semaphore_mem>>)
          %dma_start3A_172 = arith.constant 0 : i32
          %dma_start3A_173 = arith.constant 0 : i32
          %dma_start3A_174 = tpu.memref_slice %arg10[%rem3A_139, %dma_start3A_172, %dma_start3A_173] : memref<3x128x128xf32, #tpu.memory_space<vmem>> -> memref<1x128x128xf32, #tpu.memory_space<vmem>>
          %dma_start3A_175 = tpu.memref_squeeze %dma_start3A_174 : memref<1x128x128xf32, #tpu.memory_space<vmem>> -> memref<128x128xf32, #tpu.memory_space<vmem>>
          %dma_start3A_176 = arith.constant 0 : i32
          %dma_start3A_177 = arith.constant 0 : i32
          %dma_start3A_178 = tpu.memref_slice %dma_start3A_175[%dma_start3A_176, %dma_start3A_177] : memref<128x128xf32, #tpu.memory_space<vmem>> -> memref<64x128xf32, #tpu.memory_space<vmem>>
          %dma_start3A_179 = tpu.memref_slice %arg8[%sub3A_148] : memref<512xi32, #tpu.memory_space<vmem>> -> memref<64xi32, #tpu.memory_space<vmem>>
          %dma_start3A_180 = arith.constant 0 : i32
          %dma_start3A_181 = arith.constant 0 : i32
          %dma_start3A_182 = tpu.memref_slice %arg5[%dma_start3A_180, %dma_start3A_181] : memref<100000x128xf32, #tpu.memory_space<hbm>> -> memref<100000x128xf32, #tpu.memory_space<hbm>>
          %dma_start3A_183 = tpu.memref_slice %arg13[%rem3A_139] : memref<3x!tpu.dma_semaphore, #tpu.memory_space<semaphore_mem>> -> memref<1x!tpu.dma_semaphore, #tpu.memory_space<semaphore_mem>>
          %dma_start3A_184 = tpu.memref_squeeze %dma_start3A_183 : memref<1x!tpu.dma_semaphore, #tpu.memory_space<semaphore_mem>> -> memref<!tpu.dma_semaphore, #tpu.memory_space<semaphore_mem>>
          tpu.enqueue_indirect_dma source(%dma_start3A_182 : memref<100000x128xf32, #tpu.memory_space<hbm>>) target(%dma_start3A_178 : memref<64x128xf32, #tpu.memory_space<vmem>>) offsets(%dma_start3A_179 : memref<64xi32, #tpu.memory_space<vmem>>) semaphore(%dma_start3A_184 : memref<!tpu.dma_semaphore, #tpu.memory_space<semaphore_mem>>)
        } else {
        }
      } else {
      }
      %lt3A_113 = arith.constant 3 : i32
      %lt3A_114 = arith.cmpi slt, %scan3A_98, %lt3A_113 : i32
      %jit3A = arith.constant 128 : i32
      %jit3A_115 = arith.constant 64 : i32
      %select_n3A = arith.select %lt3A_114, %jit3A, %jit3A_115 : i32
      %mul3A_116 = arith.constant 128 : i32
      %mul3A_117 = arith.muli %scan3A_98, %mul3A_116 : i32
      %sub3A_118 = arith.constant 3 : i32
      %sub3A_119 = arith.subi %scan3A_98, %sub3A_118 : i32
      %max3A_120 = arith.constant 0 : i32
      %max3A_121 = arith.maxsi %sub3A_119, %max3A_120 : i32
      %mul3A_122 = arith.constant 64 : i32
      %mul3A_123 = arith.muli %max3A_121, %mul3A_122 : i32
      %sub3A_124 = arith.subi %mul3A_117, %mul3A_123 : i32
      %while3A = arith.constant 0 : i32
      %while3A_125 = arith.constant 0 : i32
      %while3A_126 = arith.subi %select_n3A, %while3A_125 : i32
      %while3A_127 = arith.addi %while3A_125, %while3A_126 : i32
      %while3A_128 = arith.constant 1 : i32
      %while3A_129 = arith.divsi %while3A_126, %while3A_128 : i32
      %while3A_130 = arith.muli %while3A_129, %while3A_128 : i32
      %while3A_131 = arith.addi %while3A_125, %while3A_130 : i32
      %while3A_132 = arith.constant 1 : i32
      scf.for %while3A_134 = %while3A_125 to %while3A_131 step %while3A_132  : i32 {
        %broadcast_in_dim3A = arith.constant 0.000000e+00 : f32
        %broadcast_in_dim3A_135 = vector.broadcast %broadcast_in_dim3A : f32 to vector<16xf32>
        %get3A = arith.index_cast %rem3A_99 : i32 to index
        %get3A_136 = arith.index_cast %while3A_134 : i32 to index
        %get3A_137 = arith.constant 0 : index
        %get3A_138 = tpu.vector_load %arg9[%get3A, %get3A_136, %get3A_137] {strides = array<i32>} : memref<3x128x128xf32, #tpu.memory_space<vmem>>, vector<16xf32>,
        %get3A_139 = arith.index_cast %rem3A_99 : i32 to index
        %get3A_140 = arith.index_cast %while3A_134 : i32 to index
        %get3A_141 = arith.constant 0 : index
        %get3A_142 = tpu.vector_load %arg10[%get3A_139, %get3A_140, %get3A_141] {strides = array<i32>} : memref<3x128x128xf32, #tpu.memory_space<vmem>>, vector<16xf32>,
        %mul3A_143 = arith.mulf %get3A_138, %get3A_142 : vector<16xf32>
        %add3A_144 = arith.addf %broadcast_in_dim3A_135, %mul3A_143 : vector<16xf32>
        %get3A_145 = arith.index_cast %rem3A_99 : i32 to index
        %get3A_146 = arith.index_cast %while3A_134 : i32 to index
        %get3A_147 = arith.constant 16 : index
        %get3A_148 = tpu.vector_load %arg9[%get3A_145, %get3A_146, %get3A_147] {strides = array<i32>} : memref<3x128x128xf32, #tpu.memory_space<vmem>>, vector<16xf32>,
        %get3A_149 = arith.index_cast %rem3A_99 : i32 to index
        %get3A_150 = arith.index_cast %while3A_134 : i32 to index
        %get3A_151 = arith.constant 16 : index
        %get3A_152 = tpu.vector_load %arg10[%get3A_149, %get3A_150, %get3A_151] {strides = array<i32>} : memref<3x128x128xf32, #tpu.memory_space<vmem>>, vector<16xf32>,
        %mul3A_153 = arith.mulf %get3A_148, %get3A_152 : vector<16xf32>
        %add3A_154 = arith.addf %add3A_144, %mul3A_153 : vector<16xf32>
        %get3A_155 = arith.index_cast %rem3A_99 : i32 to index
        %get3A_156 = arith.index_cast %while3A_134 : i32 to index
        %get3A_157 = arith.constant 32 : index
        %get3A_158 = tpu.vector_load %arg9[%get3A_155, %get3A_156, %get3A_157] {strides = array<i32>} : memref<3x128x128xf32, #tpu.memory_space<vmem>>, vector<16xf32>,
        %get3A_159 = arith.index_cast %rem3A_99 : i32 to index
        %get3A_160 = arith.index_cast %while3A_134 : i32 to index
        %get3A_161 = arith.constant 32 : index
        %get3A_162 = tpu.vector_load %arg10[%get3A_159, %get3A_160, %get3A_161] {strides = array<i32>} : memref<3x128x128xf32, #tpu.memory_space<vmem>>, vector<16xf32>,
        %mul3A_163 = arith.mulf %get3A_158, %get3A_162 : vector<16xf32>
        %add3A_164 = arith.addf %add3A_154, %mul3A_163 : vector<16xf32>
        %get3A_165 = arith.index_cast %rem3A_99 : i32 to index
        %get3A_166 = arith.index_cast %while3A_134 : i32 to index
        %get3A_167 = arith.constant 48 : index
        %get3A_168 = tpu.vector_load %arg9[%get3A_165, %get3A_166, %get3A_167] {strides = array<i32>} : memref<3x128x128xf32, #tpu.memory_space<vmem>>, vector<16xf32>,
        %get3A_169 = arith.index_cast %rem3A_99 : i32 to index
        %get3A_170 = arith.index_cast %while3A_134 : i32 to index
        %get3A_171 = arith.constant 48 : index
        %get3A_172 = tpu.vector_load %arg10[%get3A_169, %get3A_170, %get3A_171] {strides = array<i32>} : memref<3x128x128xf32, #tpu.memory_space<vmem>>, vector<16xf32>,
        %mul3A_173 = arith.mulf %get3A_168, %get3A_172 : vector<16xf32>
        %add3A_174 = arith.addf %add3A_164, %mul3A_173 : vector<16xf32>
        %get3A_175 = arith.index_cast %rem3A_99 : i32 to index
        %get3A_176 = arith.index_cast %while3A_134 : i32 to index
        %get3A_177 = arith.constant 64 : index
        %get3A_178 = tpu.vector_load %arg9[%get3A_175, %get3A_176, %get3A_177] {strides = array<i32>} : memref<3x128x128xf32, #tpu.memory_space<vmem>>, vector<16xf32>,
        %get3A_179 = arith.index_cast %rem3A_99 : i32 to index
        %get3A_180 = arith.index_cast %while3A_134 : i32 to index
        %get3A_181 = arith.constant 64 : index
        %get3A_182 = tpu.vector_load %arg10[%get3A_179, %get3A_180, %get3A_181] {strides = array<i32>} : memref<3x128x128xf32, #tpu.memory_space<vmem>>, vector<16xf32>,
        %mul3A_183 = arith.mulf %get3A_178, %get3A_182 : vector<16xf32>
        %add3A_184 = arith.addf %add3A_174, %mul3A_183 : vector<16xf32>
        %get3A_185 = arith.index_cast %rem3A_99 : i32 to index
        %get3A_186 = arith.index_cast %while3A_134 : i32 to index
        %get3A_187 = arith.constant 80 : index
        %get3A_188 = tpu.vector_load %arg9[%get3A_185, %get3A_186, %get3A_187] {strides = array<i32>} : memref<3x128x128xf32, #tpu.memory_space<vmem>>, vector<16xf32>,
        %get3A_189 = arith.index_cast %rem3A_99 : i32 to index
        %get3A_190 = arith.index_cast %while3A_134 : i32 to index
        %get3A_191 = arith.constant 80 : index
        %get3A_192 = tpu.vector_load %arg10[%get3A_189, %get3A_190, %get3A_191] {strides = array<i32>} : memref<3x128x128xf32, #tpu.memory_space<vmem>>, vector<16xf32>,
        %mul3A_193 = arith.mulf %get3A_188, %get3A_192 : vector<16xf32>
        %add3A_194 = arith.addf %add3A_184, %mul3A_193 : vector<16xf32>
        %get3A_195 = arith.index_cast %rem3A_99 : i32 to index
        %get3A_196 = arith.index_cast %while3A_134 : i32 to index
        %get3A_197 = arith.constant 96 : index
        %get3A_198 = tpu.vector_load %arg9[%get3A_195, %get3A_196, %get3A_197] {strides = array<i32>} : memref<3x128x128xf32, #tpu.memory_space<vmem>>, vector<16xf32>,
        %get3A_199 = arith.index_cast %rem3A_99 : i32 to index
        %get3A_200 = arith.index_cast %while3A_134 : i32 to index
        %get3A_201 = arith.constant 96 : index
        %get3A_202 = tpu.vector_load %arg10[%get3A_199, %get3A_200, %get3A_201] {strides = array<i32>} : memref<3x128x128xf32, #tpu.memory_space<vmem>>, vector<16xf32>,
        %mul3A_203 = arith.mulf %get3A_198, %get3A_202 : vector<16xf32>
        %add3A_204 = arith.addf %add3A_194, %mul3A_203 : vector<16xf32>
        %get3A_205 = arith.index_cast %rem3A_99 : i32 to index
        %get3A_206 = arith.index_cast %while3A_134 : i32 to index
        %get3A_207 = arith.constant 112 : index
        %get3A_208 = tpu.vector_load %arg9[%get3A_205, %get3A_206, %get3A_207] {strides = array<i32>} : memref<3x128x128xf32, #tpu.memory_space<vmem>>, vector<16xf32>,
        %get3A_209 = arith.index_cast %rem3A_99 : i32 to index
        %get3A_210 = arith.index_cast %while3A_134 : i32 to index
        %get3A_211 = arith.constant 112 : index
        %get3A_212 = tpu.vector_load %arg10[%get3A_209, %get3A_210, %get3A_211] {strides = array<i32>} : memref<3x128x128xf32, #tpu.memory_space<vmem>>, vector<16xf32>,
        %mul3A_213 = arith.mulf %get3A_208, %get3A_212 : vector<16xf32>
        %add3A_214 = arith.addf %add3A_204, %mul3A_213 : vector<16xf32>
        %broadcast_in_dim3A_215 = arith.constant true
        %broadcast_in_dim3A_216 = vector.broadcast %broadcast_in_dim3A_215 : i1 to vector<16xi1>
        %masked_cumsum3A = tpu.scan <sum>, %add3A_214 masked %broadcast_in_dim3A_216 : vector<16xf32>, vector<16xi1> -> vector<16xf32>
        %iota3A = tpu.iota {dimensions = array<i32: 0>} : vector<16xi32>
        %add3A_217 = arith.addi %sub3A_124, %while3A_134 : i32
        %broadcast_in_dim3A_218 = vector.broadcast %add3A_217 : i32 to vector<16xi32>
        %eq3A = arith.constant 15 : i32
        %eq3A_219 = vector.broadcast %eq3A : i32 to vector<16xi32>
        %eq3A_220 = arith.cmpi eq, %iota3A, %eq3A_219 : vector<16xi32>
        tpu.vector_store_idx %arg11[%broadcast_in_dim3A_218], %masked_cumsum3A masked %eq3A_220 : memref<512xf32, #tpu.memory_space<vmem>>[vector<16xi32>], vector<16xf32>, vector<16xi1>
      }
      %while3A_133 = arith.constant 1 : i32
      scf.for %while3A_134 = %while3A_131 to %while3A_127 step %while3A_133  : i32 {
        %broadcast_in_dim3A = arith.constant 0.000000e+00 : f32
        %broadcast_in_dim3A_135 = vector.broadcast %broadcast_in_dim3A : f32 to vector<16xf32>
        %get3A = arith.index_cast %rem3A_99 : i32 to index
        %get3A_136 = arith.index_cast %while3A_134 : i32 to index
        %get3A_137 = arith.constant 0 : index
        %get3A_138 = tpu.vector_load %arg9[%get3A, %get3A_136, %get3A_137] {strides = array<i32>} : memref<3x128x128xf32, #tpu.memory_space<vmem>>, vector<16xf32>,
        %get3A_139 = arith.index_cast %rem3A_99 : i32 to index
        %get3A_140 = arith.index_cast %while3A_134 : i32 to index
        %get3A_141 = arith.constant 0 : index
        %get3A_142 = tpu.vector_load %arg10[%get3A_139, %get3A_140, %get3A_141] {strides = array<i32>} : memref<3x128x128xf32, #tpu.memory_space<vmem>>, vector<16xf32>,
        %mul3A_143 = arith.mulf %get3A_138, %get3A_142 : vector<16xf32>
        %add3A_144 = arith.addf %broadcast_in_dim3A_135, %mul3A_143 : vector<16xf32>
        %get3A_145 = arith.index_cast %rem3A_99 : i32 to index
        %get3A_146 = arith.index_cast %while3A_134 : i32 to index
        %get3A_147 = arith.constant 16 : index
        %get3A_148 = tpu.vector_load %arg9[%get3A_145, %get3A_146, %get3A_147] {strides = array<i32>} : memref<3x128x128xf32, #tpu.memory_space<vmem>>, vector<16xf32>,
        %get3A_149 = arith.index_cast %rem3A_99 : i32 to index
        %get3A_150 = arith.index_cast %while3A_134 : i32 to index
        %get3A_151 = arith.constant 16 : index
        %get3A_152 = tpu.vector_load %arg10[%get3A_149, %get3A_150, %get3A_151] {strides = array<i32>} : memref<3x128x128xf32, #tpu.memory_space<vmem>>, vector<16xf32>,
        %mul3A_153 = arith.mulf %get3A_148, %get3A_152 : vector<16xf32>
        %add3A_154 = arith.addf %add3A_144, %mul3A_153 : vector<16xf32>
        %get3A_155 = arith.index_cast %rem3A_99 : i32 to index
        %get3A_156 = arith.index_cast %while3A_134 : i32 to index
        %get3A_157 = arith.constant 32 : index
        %get3A_158 = tpu.vector_load %arg9[%get3A_155, %get3A_156, %get3A_157] {strides = array<i32>} : memref<3x128x128xf32, #tpu.memory_space<vmem>>, vector<16xf32>,
        %get3A_159 = arith.index_cast %rem3A_99 : i32 to index
        %get3A_160 = arith.index_cast %while3A_134 : i32 to index
        %get3A_161 = arith.constant 32 : index
        %get3A_162 = tpu.vector_load %arg10[%get3A_159, %get3A_160, %get3A_161] {strides = array<i32>} : memref<3x128x128xf32, #tpu.memory_space<vmem>>, vector<16xf32>,
        %mul3A_163 = arith.mulf %get3A_158, %get3A_162 : vector<16xf32>
        %add3A_164 = arith.addf %add3A_154, %mul3A_163 : vector<16xf32>
        %get3A_165 = arith.index_cast %rem3A_99 : i32 to index
        %get3A_166 = arith.index_cast %while3A_134 : i32 to index
        %get3A_167 = arith.constant 48 : index
        %get3A_168 = tpu.vector_load %arg9[%get3A_165, %get3A_166, %get3A_167] {strides = array<i32>} : memref<3x128x128xf32, #tpu.memory_space<vmem>>, vector<16xf32>,
        %get3A_169 = arith.index_cast %rem3A_99 : i32 to index
        %get3A_170 = arith.index_cast %while3A_134 : i32 to index
        %get3A_171 = arith.constant 48 : index
        %get3A_172 = tpu.vector_load %arg10[%get3A_169, %get3A_170, %get3A_171] {strides = array<i32>} : memref<3x128x128xf32, #tpu.memory_space<vmem>>, vector<16xf32>,
        %mul3A_173 = arith.mulf %get3A_168, %get3A_172 : vector<16xf32>
        %add3A_174 = arith.addf %add3A_164, %mul3A_173 : vector<16xf32>
        %get3A_175 = arith.index_cast %rem3A_99 : i32 to index
        %get3A_176 = arith.index_cast %while3A_134 : i32 to index
        %get3A_177 = arith.constant 64 : index
        %get3A_178 = tpu.vector_load %arg9[%get3A_175, %get3A_176, %get3A_177] {strides = array<i32>} : memref<3x128x128xf32, #tpu.memory_space<vmem>>, vector<16xf32>,
        %get3A_179 = arith.index_cast %rem3A_99 : i32 to index
        %get3A_180 = arith.index_cast %while3A_134 : i32 to index
        %get3A_181 = arith.constant 64 : index
        %get3A_182 = tpu.vector_load %arg10[%get3A_179, %get3A_180, %get3A_181] {strides = array<i32>} : memref<3x128x128xf32, #tpu.memory_space<vmem>>, vector<16xf32>,
        %mul3A_183 = arith.mulf %get3A_178, %get3A_182 : vector<16xf32>
        %add3A_184 = arith.addf %add3A_174, %mul3A_183 : vector<16xf32>
        %get3A_185 = arith.index_cast %rem3A_99 : i32 to index
        %get3A_186 = arith.index_cast %while3A_134 : i32 to index
        %get3A_187 = arith.constant 80 : index
        %get3A_188 = tpu.vector_load %arg9[%get3A_185, %get3A_186, %get3A_187] {strides = array<i32>} : memref<3x128x128xf32, #tpu.memory_space<vmem>>, vector<16xf32>,
        %get3A_189 = arith.index_cast %rem3A_99 : i32 to index
        %get3A_190 = arith.index_cast %while3A_134 : i32 to index
        %get3A_191 = arith.constant 80 : index
        %get3A_192 = tpu.vector_load %arg10[%get3A_189, %get3A_190, %get3A_191] {strides = array<i32>} : memref<3x128x128xf32, #tpu.memory_space<vmem>>, vector<16xf32>,
        %mul3A_193 = arith.mulf %get3A_188, %get3A_192 : vector<16xf32>
        %add3A_194 = arith.addf %add3A_184, %mul3A_193 : vector<16xf32>
        %get3A_195 = arith.index_cast %rem3A_99 : i32 to index
        %get3A_196 = arith.index_cast %while3A_134 : i32 to index
        %get3A_197 = arith.constant 96 : index
        %get3A_198 = tpu.vector_load %arg9[%get3A_195, %get3A_196, %get3A_197] {strides = array<i32>} : memref<3x128x128xf32, #tpu.memory_space<vmem>>, vector<16xf32>,
        %get3A_199 = arith.index_cast %rem3A_99 : i32 to index
        %get3A_200 = arith.index_cast %while3A_134 : i32 to index
        %get3A_201 = arith.constant 96 : index
        %get3A_202 = tpu.vector_load %arg10[%get3A_199, %get3A_200, %get3A_201] {strides = array<i32>} : memref<3x128x128xf32, #tpu.memory_space<vmem>>, vector<16xf32>,
        %mul3A_203 = arith.mulf %get3A_198, %get3A_202 : vector<16xf32>
        %add3A_204 = arith.addf %add3A_194, %mul3A_203 : vector<16xf32>
        %get3A_205 = arith.index_cast %rem3A_99 : i32 to index
        %get3A_206 = arith.index_cast %while3A_134 : i32 to index
        %get3A_207 = arith.constant 112 : index
        %get3A_208 = tpu.vector_load %arg9[%get3A_205, %get3A_206, %get3A_207] {strides = array<i32>} : memref<3x128x128xf32, #tpu.memory_space<vmem>>, vector<16xf32>,
        %get3A_209 = arith.index_cast %rem3A_99 : i32 to index
        %get3A_210 = arith.index_cast %while3A_134 : i32 to index
        %get3A_211 = arith.constant 112 : index
        %get3A_212 = tpu.vector_load %arg10[%get3A_209, %get3A_210, %get3A_211] {strides = array<i32>} : memref<3x128x128xf32, #tpu.memory_space<vmem>>, vector<16xf32>,
        %mul3A_213 = arith.mulf %get3A_208, %get3A_212 : vector<16xf32>
        %add3A_214 = arith.addf %add3A_204, %mul3A_213 : vector<16xf32>
        %broadcast_in_dim3A_215 = arith.constant true
        %broadcast_in_dim3A_216 = vector.broadcast %broadcast_in_dim3A_215 : i1 to vector<16xi1>
        %masked_cumsum3A = tpu.scan <sum>, %add3A_214 masked %broadcast_in_dim3A_216 : vector<16xf32>, vector<16xi1> -> vector<16xf32>
        %iota3A = tpu.iota {dimensions = array<i32: 0>} : vector<16xi32>
        %add3A_217 = arith.addi %sub3A_124, %while3A_134 : i32
        %broadcast_in_dim3A_218 = vector.broadcast %add3A_217 : i32 to vector<16xi32>
        %eq3A = arith.constant 15 : i32
        %eq3A_219 = vector.broadcast %eq3A : i32 to vector<16xi32>
        %eq3A_220 = arith.cmpi eq, %iota3A, %eq3A_219 : vector<16xi32>
        tpu.vector_store_idx %arg11[%broadcast_in_dim3A_218], %masked_cumsum3A masked %eq3A_220 : memref<512xf32, #tpu.memory_space<vmem>>[vector<16xi32>], vector<16xf32>, vector<16xi1>
      }
    }
    %scan3A_97 = arith.constant 5 : i32
    "tpu.region"() ({
      %run_scoped3A = tpu.sem_alloc : memref<!tpu.dma_semaphore, #tpu.memory_space<semaphore_mem>>
      %dma_start3A_98 = tpu.memref_slice %arg6[%mul3A_2] : memref<16384xf32, #tpu.memory_space<hbm>> -> memref<512xf32, #tpu.memory_space<hbm>>
      %dma_start3A_99 = tpu.memref_slice %arg6[%mul3A_2] : memref<16384xf32, #tpu.memory_space<hbm>> -> memref<512xf32, #tpu.memory_space<hbm>>
      tpu.enqueue_dma source(%arg11 : memref<512xf32, #tpu.memory_space<vmem>>) target(%dma_start3A_99 : memref<512xf32, #tpu.memory_space<hbm>>) target_semaphore(%run_scoped3A : memref<!tpu.dma_semaphore, #tpu.memory_space<semaphore_mem>>)
      %dma_wait3A_100 = tpu.memref_slice %arg6[%mul3A_2] : memref<16384xf32, #tpu.memory_space<hbm>> -> memref<512xf32, #tpu.memory_space<hbm>>
      %dma_wait3A_101 = tpu.memref_slice %arg6[%mul3A_2] : memref<16384xf32, #tpu.memory_space<hbm>> -> memref<512xf32, #tpu.memory_space<hbm>>
      tpu.wait_dma2 semaphore(%run_scoped3A : memref<!tpu.dma_semaphore, #tpu.memory_space<semaphore_mem>>) src(%arg11 : memref<512xf32, #tpu.memory_space<vmem>>) dst(%dma_wait3A_101 : memref<512xf32, #tpu.memory_space<hbm>>)
      tpu.yield
    }) : () -> ()
    return
  }
}

</mosaic_0001>

<sc_bundles>
// kernel: kernel.3.cloned.1.call-start
scs
__scs_entry_jumppad:
0x0: {  	(pc) =	sbr.rel $0x88, $3  }
0x1: {  	(tag) =	ssettag $0x0;
	lr =	simm.s32 $0x1  }
0x2: {  	[smem:$0x3F9D] =	sst lr;
	_ =	strace $0xD0000000  }
0x3: {  	_ = 	snop  }
0x4: {  	_ = 	snop  }
0x5: {  	_ = 	snop  }
0x6: {  	_ = 	snop  }
0x7: {  	_ = 	snop  }
__scs_overlays_trampoline_lowered:
0x8: {  	[smem:$0x3FAC] =	sst s0  }
0x9: {  	[smem:$0x3FAD] =	sst s1  }
0xa: {  	[smem:$0x3FAE] =	sst s2  }
0xb: {  	[smem:$0x3FAF] =	sst s3  }
0xc: {  	[smem:$0x3FB0] =	sst s4  }
0xd: {  	[smem:$0x3FB1] =	sst s5  }
0xe: {  	[smem:$0x3FB2] =	sst s6  }
0xf: {  	[smem:$0x3FB3] =	sst s7  }
0x10: {  	[smem:$0x3FB4] =	sst s8  }
0x11: {  	[smem:$0x3FB5] =	sst s9;
	s0 =	simm.s32 @!p0 $0x0  }
0x12: {  	s1 =	sld [smem:$0x3F9B];
	s0 =	simm.s32 @p0 $0x1  }
0x13: {  	[smem:$0x3FB6] =	sst s0;
	s0 =	simm.s32 @!p1 $0x0  }
0x14: {  	s2 =	sld [smem:$0x3F9A];
	s0 =	simm.s32 @p1 $0x1  }
0x15: {  	[smem:$0x3FB7] =	sst s0;
	s0 =	simm.s32 @!p2 $0x0  }
0x16: {  	s3 =	sld [smem:$0x3FDB];
	s0 =	simm.s32 @p2 $0x1  }
0x17: {  	s4 =	simm.s32 $0x1BF5;
	[smem:$0x3FB9] =	sst s0  }
0x18: {  	s0 =	sld [smem:$0x3F9C];
	_ =	swait.ge [sflag:s4], $0x0  }
0x19: {  	s7 =	sld [smem:$0x3F9D]  }
0x1a: {  	s8 =	sadd.s32 $0xFFFFE003, lr  }
0x1b: {  	s9 =	sadd.s32 $0xFFFFFEF7, lr;
	s5 =	simm.s32 $0xFFFFFFFF;
	p2 =	slt.u32 s8, $0xFFFFF086  }
0x1c: {  	p1 =	slt.u32 s9, $0xF7A;
	s5 =	simm.s32 @!p2 $0x0  }
0x1d: {  	s5 =	simm.s32 @p1 $0x1;
	p0 =	seq.s32 s7, s2  }
0x1e: {  	s7 =	smul.u32 @!p0 $0xF7A, s2;
	p2 =	seq.s32 @!p0 s5, $0x0  }
0x1f: {  	s9 =	smul.u32 $0xF7A, s1;
	s8 =	simm.s32 @!p0 $0x1BF5;
	p2 =	por !p2, p0  }
0x20: {  	[sflag:s8] =	ssyncset.s32 @!p0 $0xFFFFF086;
	s6 =	sadd.s32 @!p0 s3, s7;
	s7 =	simm.s32 @!p0 $0x108  }
0x21: {  	s3 =	sadd.s32 s3, s9;
	s6 =	sadd.s32 @!p0 $0x88, s6;
	s7 =	simm.s32 @p2 $0x1082  }
0x22: {  	[simem:s7], [sflag:s8] =	dma.local @!p0 [hbm:s6], $0xF7A  }
0x23: {  	s9 =	sor.u32 $0xD0000000, s2;
	s6 =	simm.s32 $0x108;
	_ =	swait.ge @!p0 [sflag:s8], $0x0  }
0x24: {  	s3 =	sadd.s32 $0x88, s3;
	s6 =	simm.s32 @!p1 $0x1082;
	[sflag:s4] =	ssyncset.s32 $0xFFFFF086  }
0x25: {  	[simem:s6], [sflag:s4] =	dma.local [hbm:s3], $0xF7A  }
0x26: {  	[smem:$0x3F9D] =	sst s1;
	(tag) =	ssettag s2;
	_ =	strace s9  }
0x27: {  	s1 =	sld [smem:$0x3FAD]  }
0x28: {  	s2 =	sld [smem:$0x3FAE]  }
0x29: {  	s4 =	sld [smem:$0x3FB0]  }
0x2a: {  	p0 =	seq.s32 s5, $0x0;
	s5 =	sld [smem:$0x3FB1]  }
0x2b: {  	s6 =	sld [smem:$0x3FB2]  }
0x2c: {  	s7 =	sld [smem:$0x3FB3]  }
0x2d: {  	s3 =	simm.s32 $0x108;
	s8 =	sld [smem:$0x3FB4]  }
0x2e: {  	s3 =	simm.s32 @!p0 $0x1082;
	s9 =	sld [smem:$0x3FB5]  }
0x2f: {  	lr =	sadd.s32 s0, s3;
	s0 =	sld [smem:$0x3FAC]  }
0x30: {  	s3 =	sld [smem:$0x3FAF]  }
0x31: {  	[smem:$0x3FB8] =	sst s10  }
0x32: {  	s10 =	sld [smem:$0x3FB6];
	_ =	sdelay $0x3  }
0x33: {  	p0 =	seq.s32 s10, $0x1;
	s10 =	sld [smem:$0x3FB8];
	_ =	sdelay $0x3  }
0x34: {  	[smem:$0x3FB8] =	sst s10  }
0x35: {  	s10 =	sld [smem:$0x3FB7];
	_ =	sdelay $0x3  }
0x36: {  	p1 =	seq.s32 s10, $0x1;
	s10 =	sld [smem:$0x3FB8];
	_ =	sdelay $0x3  }
0x37: {  	[smem:$0x3FB8] =	sst s10  }
0x38: {  	s10 =	sld [smem:$0x3FB9]  }
0x39: {  	_ = 	snop;
	(pc) =	sbr.ind lr, $3  }
0x3a: {  	_ = 	snop  }
0x3b: {  	_ = 	snop  }
0x3c: {  	p2 =	seq.s32 s10, $0x1;
	s10 =	sld [smem:$0x3FB8]  }
0x3d: {  	_ =	shalt  }
0x3e: {  	_ =	shalt  }
0x3f: {  	_ =	shalt  }
0x40: {  	_ =	shalt  }
0x41: {  	_ =	shalt  }
0x42: {  	_ =	shalt  }
0x43: {  	_ =	shalt  }
0x44: {  	_ =	shalt  }
0x45: {  	_ =	shalt  }
0x46: {  	_ =	shalt  }
0x47: {  	_ =	shalt  }
0x48: {  	_ =	shalt  }
0x49: {  	_ =	shalt  }
0x4a: {  	_ =	shalt  }
0x4b: {  	_ =	shalt  }
0x4c: {  	_ =	shalt  }
0x4d: {  	_ =	shalt  }
0x4e: {  	_ =	shalt  }
0x4f: {  	_ =	shalt  }
0x50: {  	_ =	shalt  }
0x51: {  	_ =	shalt  }
0x52: {  	_ =	shalt  }
0x53: {  	_ =	shalt  }
0x54: {  	_ =	shalt  }
0x55: {  	_ =	shalt  }
0x56: {  	_ =	shalt  }
0x57: {  	_ =	shalt  }
0x58: {  	_ =	shalt  }
0x59: {  	_ =	shalt  }
0x5a: {  	_ =	shalt  }
0x5b: {  	_ =	shalt  }
0x5c: {  	_ =	shalt  }
0x5d: {  	_ =	shalt  }
0x5e: {  	_ =	shalt  }
0x5f: {  	_ =	shalt  }
0x60: {  	_ =	shalt  }
0x61: {  	_ =	shalt  }
0x62: {  	_ =	shalt  }
0x63: {  	_ =	shalt  }
0x64: {  	_ =	shalt  }
0x65: {  	_ =	shalt  }
0x66: {  	_ =	shalt  }
0x67: {  	_ =	shalt  }
0x68: {  	_ =	shalt  }
0x69: {  	_ =	shalt  }
0x6a: {  	_ =	shalt  }
0x6b: {  	_ =	shalt  }
0x6c: {  	_ =	shalt  }
0x6d: {  	_ =	shalt  }
0x6e: {  	_ =	shalt  }
0x6f: {  	_ =	shalt  }
0x70: {  	_ =	shalt  }
0x71: {  	_ =	shalt  }
0x72: {  	_ =	shalt  }
0x73: {  	_ =	shalt  }
0x74: {  	_ =	shalt  }
0x75: {  	_ =	shalt  }
0x76: {  	_ =	shalt  }
0x77: {  	_ =	shalt  }
0x78: {  	_ =	shalt  }
0x79: {  	_ =	shalt  }
0x7a: {  	_ =	shalt  }
0x7b: {  	_ =	shalt  }
0x7c: {  	_ =	shalt  }
0x7d: {  	_ =	shalt  }
0x7e: {  	_ =	shalt  }
0x7f: {  	_ =	shalt  }
0x80: {  	_ =	shalt  }
0x81: {  	_ =	shalt  }
0x82: {  	_ =	shalt  }
0x83: {  	_ =	shalt  }
0x84: {  	_ =	shalt  }
0x85: {  	_ =	shalt  }
0x86: {  	_ =	shalt  }
0x87: {  	_ =	shalt  }
.Lfunc_end0:
.L_simem_size_0:
called_computation_lowered:
.L_overlay_start_0:
0x88: {  	s2 =	sld [smem:$0x3FD9]  }
0x89: {  	s3 =	sld [smem:$0x3FFE];
	_ =	sdelay $0x1  }
0x8a: {  	s1 =	srdreg.scid  }
0x8b: {  	s0 =	sand.u32 $0x1, s1  }
0x8c: {  	s18 =	sshll.u32 s0, $0xA;
	s2 =	sadd.s32 s3, s2  }
0x8d: {  	s2 =	sadd.s32 s2, s18  }
0x8e: {  	[smem:$0x3FC4] =	sst s2  }
0x8f: {  	_ = 	snop  }
0x90: {  	s2 =	sld [smem:$0x3FC9]  }
0x91: {  	s19 =	sld [smem:$0x3FC8]  }
0x92: {  	s4 =	sld [smem:$0x3FC7]  }
0x93: {  	s5 =	sld [smem:$0x3FC6]  }
0x94: {  	s6 =	sld [smem:$0x3FD0];
	(tm) =	ssettm $0x1  }
0x95: {  	s7 =	sld [smem:$0x3FFB];
	_ =	sdelay $0x3  }
0x96: {  	_ =	strace s7  }
0x97: {  	s7 =	sld [smem:$0x3FFC];
	_ =	sdelay $0x3  }
0x98: {  	_ =	strace s7  }
0x99: {  	s7 =	sld [smem:$0x3FFD];
	_ =	sdelay $0x3  }
0x9a: {  	_ =	strace s7  }
0x9b: {  	_ =	strace $0x8FFFFFFF  }
0x9c: {  	s20 =	sld [smem:$0x3FDB];
	_ =	sdelay $0x1  }
0x9d: {  	s8 =	simm.s32 $_scs_section_size  }
0x9e: {  	s9 =	simm.s32 $_size__tile_overlayer_lowered;
	s10 =	simm.s32 $_tile_overlayer_lowered  }
0x9f: {  	s23 =	simm.s32 $0x1BFF;
	s22 =	sshll.u32 s10, $0x1;
	s7 =	sadd.s32 s8, s20  }
0xa0: {  	s11 =	simm.s32 $0x0;
	s21 =	sshll.u32 s9, $0x1;
	s9 =	sadd.s32 s22, s7  }
0xa1: {  	[timem:s11], [sflag:s23] =	dma.local [hbm:s9], s21  }
0xa2: {  	_ =	swait.ge [sflag:s23], s21  }
0xa3: {  	s8 =	ssub.s32 $0x0, s21;
	[sflag:s23] =	ssyncset.done $0x0  }
0xa4: {  	[sflag:s23] =	ssyncadd.s32 s8;
	_ =	sdelay $0x1  }
0xa5: {  	s24 =	simm.s32 $0x1B8B  }
0xa6: {  	_ =	swait.ge [sflag:s24], $0x1  }
0xa7: {  	[sflag:s24] =	ssyncset.done $0x0  }
0xa8: {  	s25 =	simm.s32 $0x1B8E;
	[sflag:s24] =	ssyncadd.s32 $0xFFFFFFFF  }
0xa9: {  	s26 =	simm.s32 $execute0_lowered;
	[smem:$0x3FD2] =	sst s25  }
0xaa: {  	s8 =	sshll.u32 s26, $0x1;
	_ =	strace $0x80000046;
	[dreg:$0x1] =	wrdreg $0xFFFFFFFF  }
0xab: {  	s28 =	simm.s32 $_size_execute0_lowered;
	s7 =	sadd.s32 s7, s8;
	[dreg:$0x0] =	wrdreg $0x0  }
0xac: {  	s8 =	sshll.u32 s28, $0x1;
	[dreg:$0x2] =	wrdreg s7  }
0xad: {  	[dreg:$0x3] =	wrdreg s8  }
0xae: {  	[dreg:$0x4] =	wrdreg $0xC0  }
0xaf: {  	_ =	task [dreg:s11], $0x5FFFF  }
0xb0: {  	[dreg:$0x1] =	wrdreg $0xFFFFFFFF  }
0xb1: {  	[dreg:$0x0] =	wrdreg $0x60  }
0xb2: {  	[dreg:$0x2] =	wrdreg s2  }
0xb3: {  	[dreg:$0x3] =	wrdreg s19  }
0xb4: {  	[dreg:$0x4] =	wrdreg s4  }
0xb5: {  	[dreg:$0x5] =	wrdreg s5  }
0xb6: {  	[dreg:$0x6] =	wrdreg s6  }
0xb7: {  	[dreg:$0x7] =	wrdreg $0x9  }
0xb8: {  	_ =	task.clear_ibuf [dreg:s11], $0x8FFFF;
	_ =	strace $0x90000046  }
0xb9: {  	s29 =	simm.s32 $0x9;
	_ =	strace $0x80000048  }
0xba: {  	_ =	swait.ge [sflag:s29], $0x1  }
0xbb: {  	[sflag:s29] =	ssyncadd.s32 $0xFFFFFFFF  }
0xbc: {  	_ =	strace $0x90000048  }
0xbd: {  	_ =	sfence  }
0xbe: {  	s30 =	sld [smem:$0x0];
	_ =	sdelay $0x2  }
0xbf: {  	s31 =	sshll.u32 s1, $0xD;
	s1 =	sshrl.u32 s1, $0x2  }
0xc0: {  	s3 =	sand.u32 $0x4000, s31;
	s1 =	sadd.s32 s1, s30  }
0xc1: {  	s0 =	sor.u32 s3, s0;
	s1 =	sshll.u32 s1, $0x11  }
0xc2: {  	s0 =	sor.u32 s1, s0  }
0xc3: {  	s0 =	sadd.s32 $0x8F2B, s0  }
0xc4: {  	[sflag:s0] =	ssyncadd.remote.s32 $0x1  }
0xc5: {  	_ =	sfence.sel $0xFFFF  }
0xc6: {  	[dreg:$0x0] =	wrdreg $0xFFFFFFFF;
	(pc) =	sbr.abs _section_cstart, $3  }
0xc7: {  	[dreg:$0x1] =	wrdreg $0xFFFFFFFF  }
0xc8: {  	_ =	task.clear_ibuf [dreg:s11], $0x2FFFF;
	_ =	strace $0x9FFFFFFF  }
0xc9: {  	(tm) =	ssettm $0x7FFFFFFF  }
tec
execute0_lowered:
.L_overlay_start_1:
0x0: {  	(tag) =	ssettag $0x1  }
0x1: {  	s5 =	rddreg [dreg:$0x0]  }
0x2: {  	s6 =	rddreg [dreg:$0x1]  }
0x3: {  	s1 =	rddreg [dreg:$0x2]  }
0x4: {  	s2 =	rddreg [dreg:$0x3]  }
0x5: {  	s7 =	rddreg [dreg:$0x4]  }
0x6: {  	s0 =	rddreg [dreg:$0x5];
	s8 =	srdreg.scid;
	s4 =	simm.s32 $0x0  }
0x7: {  	s3 =	stileid.u32;
	s12 =	simm.s32 $0x80;
	s13 =	simm.s32 $0x400  }
0x8: {  	s14 =	simm.s32 $0xC400;
	s15 =	simm.s32 $0x4400;
	s16 =	simm.s32 $0x280  }
0x9: {  	s17 =	simm.s32 $0x10400;
	s18 =	simm.s32 $0x18400;
	s19 =	simm.s32 $0x7  }
0xa: {  	s20 =	simm.s32 $0x0;
	s8 =	sand.u32 $0x1, s8;
	s10 =	sshll.u32 s3, $0x7  }
.Ltmp0:
0xb: {  	[smem:$0x7FF] =	sst s4;
	s9 =	ssub.s32 $0x2, s8;
	(pc) =	sbr.rel .LBB2_1-.Ltmp0, $4  }
0xc: {  	s8 =	sshll.u32 s8, $0x6;
	_ =	strace $0x80000047;
	s11 =	sshrl.u32 s9, $0x1  }
0xd: {  	s8 =	sor.u32 s8, s10;
	s10 =	simm.s32 $0x1;
	s9 =	ssub.s32 s9, s11  }
0xe: {  	s5 =	sadd.s32 s5, s8;
	s6 =	sadd.s32 s6, s8;
	s7 =	sadd.s32 s7, s8  }
0xf: {  	vm0 =	vcmask $0x3F3C;
	s11 =	simm.s32 $0x4;
	s8 =	smax.u32 s9, $0x1;
	s9 =	simm.s32 $0x200  }
.LBB2_8:
0x10: {  	s20 =	sadd.s32 $0x1, s20  }
0x11: {  	p0 =	sne.s32 s20, s8  }
.Ltmp1:
0x12: {  	_ = 	snop;
	(pc) =	sbr.rel @!p0 .LBB2_9-.Ltmp1, $4  }
0x13: {  	[hbm4b:s7+s4] =	stream.linear.scatter [tilespmem:s18], [sflag:$0x7], $0x200, $0x38;
	[tilespmem:$0x18600] =	vst v63  }
0x14: {  	_ =	swait.ge [sflag:s19], $0x200  }
0x15: {  	[sflag:s19] =	ssyncset.done $0x0  }
0x16: {  	[sflag:s19] =	ssyncadd.s32 $0xFFFFFE00  }
.LBB2_1:
0x17: {  	[tilespmem:s4], [sflag:$0x1] =	stream.linear.gather [hbm4b:s5+s4], $0x200, $0x38;
	[tilespmem:$0x18600] =	vst v63  }
0x18: {  	_ = 	snop  }
0x19: {  	[tilespmem:s9], [sflag:$0x4] =	stream.linear.gather [hbm4b:s6+s4], $0x200, $0x38;
	[tilespmem:$0x18600] =	vst v63  }
0x1a: {  	_ =	swait.ge [sflag:s10], $0x200  }
0x1b: {  	[sflag:s10] =	ssyncset.done $0x0  }
0x1c: {  	[sflag:s10] =	ssyncadd.s32 $0xFFFFFE00  }
0x1d: {  	_ =	swait.ge [sflag:s11], $0x200  }
0x1e: {  	[sflag:s11] =	ssyncset.done $0x0  }
0x1f: {  	[sflag:s11] =	ssyncadd.s32 $0xFFFFFE00  }
0x20: {  	[tilespmem:s13], [sflag:$0x1] =	stream.indirect.gather [hbm4b:s1+s12], $0x80, s4, s12, $0xb8;
	[tilespmem:$0x18600] =	vst v63  }
0x21: {  	_ = 	snop  }
0x22: {  	[tilespmem:s14], [sflag:$0x4] =	stream.indirect.gather [hbm4b:s2+s12], $0x80, s9, s12, $0xb8;
	[tilespmem:$0x18600] =	vst v63  }
0x23: {  	_ = 	snop  }
0x24: {  	[tilespmem:s15], [sflag:$0x2] =	stream.indirect.gather [hbm4b:s1+s12], $0x80, s12, s12, $0xb8;
	[tilespmem:$0x18600] =	vst v63  }
0x25: {  	s21 =	simm.s32 $0x0  }
0x26: {  	[tilespmem:s17], [sflag:$0x5] =	stream.indirect.gather [hbm4b:s2+s12], $0x80, s16, s12, $0xb8;
	[tilespmem:$0x18600] =	vst v63  }
.LBB2_2:
0x27: {  	p0 =	slt.u32 s21, $0x3  }
0x28: {  	s22 =	sadd.s32 @p0 $0x1, s21  }
0x29: {  	_ =	swait.ge @p0 [sflag:s22], $0x4000  }
0x2a: {  	p2 =	sne.s32 @p0 s21, $0x0;
	[sflag:s22] =	ssyncset.done @p0 $0x0  }
0x2b: {  	s23 =	smax.u32 @p0 s21, $0x1;
	[sflag:s22] =	ssyncadd.s32 @p0 $0xFFFFC000;
	s22 =	sadd.s32 @p0 $0x4, s21  }
0x2c: {  	s24 =	sshll.u32 @p0 s21, $0x7;
	s23 =	sshll.u32 @p0 s23, $0x6;
	_ =	swait.ge @p0 [sflag:s22], $0x4000  }
0x2d: {  	p1 =	por !p2, !p0;
	p2 =	por p2, !p0;
	[sflag:s22] =	ssyncset.done @p0 $0x0  }
0x2e: {  	[sflag:s22] =	ssyncadd.s32 @p0 $0xFFFFC000;
	s22 =	ssub.s32 @p0 s24, s23;
	s23 =	sshll.u32 @!p1 s21, $0xE  }
0x2f: {  	s26 =	simm.s32 @!p1 $0x40;
	s22 =	sadd.s32 @p0 $0x140, s22;
	s25 =	sadd.s32 @!p1 $0xFFFFC400, s23  }
0x30: {  	[tilespmem:s25], [sflag:s21] =	stream.indirect.gather @!p1 [hbm4b:s1+s26], $0x80, s22, s26, $0xb8;
	[tilespmem:$0x18600] =	vst v63  }
0x31: {  	s28 =	sadd.s32 @!p1 $0x3, s21;
	s23 =	sadd.s32 @!p1 $0x8400, s23;
	s25 =	sadd.s32 @!p1 $0x200, s22  }
0x32: {  	[tilespmem:s23], [sflag:s28] =	stream.indirect.gather @!p1 [hbm4b:s2+s26], $0x80, s25, s26, $0xb8;
	[tilespmem:$0x18600] =	vst v63  }
0x33: {  	s23 =	simm.s32 @!p2 $0x80;
	s25 =	simm.s32 @!p2 $0x8400  }
0x34: {  	[tilespmem:s25], [sflag:$0x3] =	stream.indirect.gather @!p2 [hbm4b:s1+s23], $0x80, s22, s23, $0xb8;
	[tilespmem:$0x18600] =	vst v63  }
0x35: {  	s26 =	simm.s32 @!p2 $0x14400;
	s25 =	sadd.s32 $0xFFFFFFFD, s21;
	s22 =	sadd.s32 @!p2 $0x200, s22  }
0x36: {  	[tilespmem:s26], [sflag:$0x6] =	stream.indirect.gather @!p2 [hbm4b:s2+s23], $0x80, s22, s23, $0xb8;
	[tilespmem:$0x18600] =	vst v63  }
0x37: {  	s22 =	sadd.s32 @!p0 $0x1, s25  }
0x38: {  	_ =	swait.ge @!p0 [sflag:s22], $0x2000  }
0x39: {  	s30 =	smin.u32 s21, s25;
	[sflag:s22] =	ssyncset.done @!p0 $0x0  }
0x3a: {  	[sflag:s22] =	ssyncadd.s32 @!p0 $0xFFFFE000;
	s22 =	sadd.s32 @!p0 $0x4, s25;
	s25 =	simm.s32 @!p1 $0x80  }
0x3b: {  	s25 =	simm.s32 @p1 $0x80  }
0x3c: {  	s24 =	simm.s32 @p1 $0x0;
	s25 =	simm.s32 @!p0 $0x40  }
0x3d: {  	s28 =	smax.u32 s21, $0x3;
	_ =	swait.ge @!p0 [sflag:s22], $0x2000;
	p1 =	sne.s32 s25, $0x1  }
.Ltmp2:
0x3e: {  	s23 =	sshll.u32 s30, $0x10;
	[sflag:s22] =	ssyncset.done @!p0 $0x0;
	(pc) =	sbr.rel @!p1 .LBB2_3-.Ltmp2, $4  }
0x3f: {  	s31 =	sshra.s32 s23, $0x2;
	[sflag:s22] =	ssyncadd.s32 @!p0 $0xFFFFE000;
	s22 =	sshll.u32 @!p0 s21, $0x7  }
0x40: {  	s29 =	sshll.u32 s28, $0x6;
	s23 =	sadd.s32 $0xC440, s31;
	s22 =	smov.u32 @p0 s24  }
0x41: {  	s24 =	sor.u32 $0x440, s31;
	v0 =	vld [tilespmem:s23+$0xFFFFFFC0];
	s22 =	ssub.s32 s22, s29  }
0x42: {  	s25 =	sadd.s32 $0xFFFFFFFF, s25;
	p0 =	por $0x0, $0x0;
	v1 =	vld [tilespmem:s24+$0xFFFFFFC0];
	s22 =	sadd.s32 $0xC0, s22  }
0x43: {  	v2 =	vld [tilespmem:s24+$0xFFFFFFD0]  }
0x44: {  	v3 =	vld [tilespmem:s23+$0xFFFFFFD0]  }
0x45: {  	v4 =	vld [tilespmem:s24+$0xFFFFFFE0]  }
0x46: {  	v5 =	vld [tilespmem:s23+$0xFFFFFFE0]  }
0x47: {  	v6 =	vld [tilespmem:s23+$0xFFFFFFF0];
	v0 =	vmul.f32 v0, v1  }
0x48: {  	v1 =	vld [tilespmem:s24+$0xFFFFFFF0]  }
0x49: {  	v7 =	vld [tilespmem:s23+$0x0];
	v2 =	vmul.f32 v3, v2;
	v0 =	vadd.f32 $0.0e+00, v0  }
0x4a: {  	v3 =	vld [tilespmem:s24+$0x0]  }
0x4b: {  	v60 =	vld [tilespmem:s24+$0x10];
	v0 =	vadd.f32 v2, v0;
	v2 =	vmul.f32 v5, v4  }
0x4c: {  	v61 =	vld [tilespmem:s23+$0x10]  }
0x4d: {  	v62 =	vld [tilespmem:s23+$0x20];
	v1 =	vmul.f32 v6, v1;
	v0 =	vadd.f32 v2, v0  }
0x4e: {  	v2 =	vld [tilespmem:s24+$0x20]  }
0x4f: {  	v63 =	vld [tilespmem:s23+$0x30];
	v0 =	vadd.f32 v1, v0;
	v1 =	vmul.f32 v7, v3  }
0x50: {  	v3 =	vld [tilespmem:s24+$0x30]  }
0x51: {  	v0 =	vadd.f32 v1, v0;
	v1 =	vmul.f32 v61, v60;
	_ =	sdelay $0x1  }
0x52: {  	v0 =	vadd.f32 v1, v0;
	v1 =	vmul.f32 v62, v2;
	_ =	sdelay $0x1  }
0x53: {  	v0 =	vadd.f32 v1, v0;
	v1 =	vmul.f32 v63, v3;
	_ =	sdelay $0x1  }
0x54: {  	v0 =	vadd.f32 v1, v0;
	_ =	sdelay $0x1  }
0x55: {  	(xrf2) =	vadd.scan.msk.f32 $0xffff, v0;
	_ =	sdelay $0x5  }
0x56: {  	v0 =	vmov s22;
	_ =	sdelay $0x1  }
0x57: {  	p1 =	sne.s32 s25, $0x1  }
.Ltmp3:
0x58: {  	_ = 	snop;
	(pc) =	sbr.rel @!p1 .LBB2_5-.Ltmp3, $4  }
0x59: {  	v1, _, _ =	vpop (xrf2)  }
0x5a: {  	s23 =	sadd.s32 $0x80, s23;
	[tilespmem:v0+s18+$0x0] =	vst.idx.msk vm0, v1  }
0x5b: {  	s24 =	sadd.s32 $0x80, s24;
	v0 =	vld [tilespmem:s23+$0xFFFFFFC0]  }
0x5c: {  	s26 =	sadd.s32 $0xFFFFFFFF, s25;
	p0 =	por $0x1, $0x1;
	s25 =	smov.u32 s22;
	v1 =	vld [tilespmem:s24+$0xFFFFFFC0]  }
.LBB2_6:
0x5d: {  	p1 =	sne.s32 s26, $0x1;
	v2 =	vld [tilespmem:s24+$0xFFFFFFD0]  }
0x5e: {  	v3 =	vld [tilespmem:s23+$0xFFFFFFD0]  }
0x5f: {  	v4 =	vld [tilespmem:s24+$0xFFFFFFE0]  }
0x60: {  	v5 =	vld [tilespmem:s23+$0xFFFFFFE0]  }
0x61: {  	v0 =	vmul.f32 v0, v1;
	v1 =	vld [tilespmem:s24+$0xFFFFFFF0]  }
0x62: {  	v6 =	vld [tilespmem:s23+$0xFFFFFFF0]  }
0x63: {  	v0 =	vadd.f32 $0.0e+00, v0;
	v2 =	vmul.f32 v3, v2;
	v3 =	vld [tilespmem:s24+$0x0]  }
0x64: {  	v7 =	vld [tilespmem:s23+$0x0]  }
0x65: {  	v0 =	vadd.f32 v2, v0;
	v2 =	vmul.f32 v5, v4;
	v4 =	vld [tilespmem:s24+$0x10]  }
0x66: {  	v5 =	vld [tilespmem:s23+$0x10]  }
0x67: {  	v0 =	vadd.f32 v2, v0;
	v1 =	vmul.f32 v6, v1;
	v2 =	vld [tilespmem:s24+$0x20]  }
0x68: {  	v6 =	vld [tilespmem:s23+$0x20]  }
0x69: {  	v0 =	vadd.f32 v1, v0;
	v1 =	vmul.f32 v7, v3;
	v3 =	vld [tilespmem:s24+$0x30]  }
0x6a: {  	v7 =	vld [tilespmem:s23+$0x30]  }
0x6b: {  	v0 =	vadd.f32 v1, v0;
	v1 =	vmul.f32 v5, v4;
	_ =	sdelay $0x1  }
0x6c: {  	v0 =	vadd.f32 v1, v0;
	v1 =	vmul.f32 v6, v2;
	_ =	sdelay $0x1  }
0x6d: {  	v0 =	vadd.f32 v1, v0;
	v1 =	vmul.f32 v7, v3;
	_ =	sdelay $0x1  }
0x6e: {  	v0 =	vadd.f32 v1, v0;
	_ =	sdelay $0x1  }
0x6f: {  	(xrf2) =	vadd.scan.msk.f32 $0xffff, v0;
	_ =	sdelay $0x4  }
0x70: {  	s25 =	sadd.s32 $0x1, s25  }
0x71: {  	v0 =	vmov s25;
	_ =	sdelay $0x2  }
.Ltmp4:
0x72: {  	(pc) =	sbr.rel @p1 .LBB2_6-.Ltmp4, $4  }
0x73: {  	v1, _, _ =	vpop (xrf2)  }
0x74: {  	s23 =	sadd.s32 $0x80, s23;
	[tilespmem:v0+s18+$0x0] =	vst.idx.msk vm0, v1  }
0x75: {  	s24 =	sadd.s32 $0x80, s24;
	v0 =	vld [tilespmem:s23+$0xFFFFFFC0]  }
0x76: {  	s26 =	sadd.s32 $0xFFFFFFFF, s26;
	v1 =	vld [tilespmem:s24+$0xFFFFFFC0]  }
.LBB2_7:
0x77: {  	v2 =	vld [tilespmem:s24+$0xFFFFFFD0]  }
0x78: {  	v3 =	vld [tilespmem:s23+$0xFFFFFFD0]  }
0x79: {  	v4 =	vld [tilespmem:s24+$0xFFFFFFE0]  }
0x7a: {  	v5 =	vld [tilespmem:s23+$0xFFFFFFE0]  }
0x7b: {  	v49 =	vld [tilespmem:s24+$0xFFFFFFF0];
	v0 =	vmul.f32 v0, v1  }
0x7c: {  	v6 =	vld [tilespmem:s23+$0xFFFFFFF0]  }
0x7d: {  	v50 =	vld [tilespmem:s24+$0x0];
	v2 =	vmul.f32 v3, v2;
	v0 =	vadd.f32 $0.0e+00, v0  }
0x7e: {  	v7 =	vld [tilespmem:s23+$0x0]  }
0x7f: {  	v52 =	vld [tilespmem:s24+$0x10];
	v51 =	vmul.f32 v5, v4;
	v0 =	vadd.f32 v2, v0  }
0x80: {  	v53 =	vld [tilespmem:s23+$0x10]  }
0x81: {  	v54 =	vld [tilespmem:s24+$0x20];
	v1 =	vmul.f32 v6, v49;
	v0 =	vadd.f32 v51, v0  }
0x82: {  	v55 =	vld [tilespmem:s23+$0x20]  }
0x83: {  	v57 =	vld [tilespmem:s24+$0x30];
	v56 =	vmul.f32 v7, v50;
	v0 =	vadd.f32 v1, v0  }
0x84: {  	v58 =	vld [tilespmem:s23+$0x30]  }
0x85: {  	v59 =	vmul.f32 v53, v52;
	v0 =	vadd.f32 v56, v0;
	_ =	sdelay $0x1  }
0x86: {  	v60 =	vmul.f32 v55, v54;
	v0 =	vadd.f32 v59, v0;
	_ =	sdelay $0x1  }
0x87: {  	v61 =	vmul.f32 v58, v57;
	v0 =	vadd.f32 v60, v0;
	_ =	sdelay $0x1  }
0x88: {  	v0 =	vadd.f32 v61, v0;
	_ =	sdelay $0x1  }
0x89: {  	(xrf2) =	vadd.scan.msk.f32 $0xffff, v0;
	_ =	sdelay $0x3  }
0x8a: {  	s23 =	sadd.s32 @p0 $0x1, s25  }
0x8b: {  	s21 =	sadd.s32 $0x1, s21;
	s22 =	smov.u32 @p0 s23  }
0x8c: {  	p0 =	sne.s32 s21, $0x5;
	v62 =	vmov s22  }
.Ltmp5:
0x8d: {  	_ = 	snop;
	(pc) =	sbr.rel @p0 .LBB2_2-.Ltmp5, $4  }
.Ltmp6:
0x8e: {  	_ = 	snop;
	(pc) =	sbr.rel @!p0 .LBB2_8-.Ltmp6, $4  }
0x8f: {  	_ = 	snop  }
0x90: {  	v63, _, _ =	vpop (xrf2)  }
0x91: {  	[tilespmem:v62+s18+$0x0] =	vst.idx.msk vm0, v63  }
0x92: {  	_ = 	snop  }
.LBB2_3:
.Ltmp7:
0x93: {  	(pc) =	sbr.rel .LBB2_7-.Ltmp7, $2  }
0x94: {  	_ =	sdelay $0x2  }
0x95: {  	s25 =	smov.u32 s22  }
.LBB2_5:
.Ltmp8:
0x96: {  	(pc) =	sbr.rel .LBB2_7-.Ltmp8, $2  }
0x97: {  	_ =	sdelay $0x2  }
0x98: {  	s25 =	smov.u32 s22  }
.LBB2_9:
0x99: {  	_ =	sfence.sel $0x180000  }
0x9a: {  	[bflag:$0x0] =	sbarrier.arrive $0xFFFF  }
0x9b: {  	p0 =	sne.s32 s3, $0x0;
	_ =	strace $0x90000047  }
0x9c: {  	s0 =	sadd.s32 @!p0 $0x100000, s0;
	[bflag:$0x2] =	sbarrier.arrive $0xFFFF  }
0x9d: {  	[sflag:s0] =	ssyncadd.tile.s32 @!p0 $0x1;
	_ =	shalt  }
.Lfunc_end2:
_tile_overlayer_lowered:
.L_overlay_start_2:
0x9e: {  	(tag) =	ssettag $0x2  }
0x9f: {  	s0 =	rddreg [dreg:$0x0];
	s2 =	stileid.u32  }
0xa0: {  	s1 =	rddreg [dreg:$0x1];
	p0 =	sne.s32 s2, $0x0  }
0xa1: {  	s3 =	rddreg [dreg:$0x2];
	[bflag:$0x3] =	sbarrier.arrive $0xFFFF;
	s2 =	simm.s32 @!p0 $0x1C07  }
0xa2: {  	[timem:s3], [sflag:s2] =	dma.local @!p0 [hbm:s0], s1  }
0xa3: {  	s0 =	simm.s32 @!p0 $0x7  }
0xa4: {  	_ =	swait.ge @!p0 [sflag:s0], s1  }
0xa5: {  	s1 =	ssub.s32 @!p0 $0x0, s1;
	[sflag:s0] =	ssyncset.done @!p0 $0x0  }
0xa6: {  	[sflag:s0] =	ssyncadd.s32 @!p0 s1  }
0xa7: {  	[bflag:$0x3] =	sbarrier.arrive $0xFFFF  }
0xa8: {  	_ =	shalt  }

</sc_bundles>
